<compile_context>
chip_gen: v7x
topology: tpu7x:2x2x1
jax: 0.10.2.dev20260603
libtpu: 0.0.44.dev20260713+nightly
codegen_flags: <defaults>
</compile_context>

<pallas_src>
import functools

import jax
import jax.numpy as jnp
from jax import lax
from jax.experimental import pallas as pl
from jax.experimental.pallas import tpu as pltpu
from jax.experimental.pallas import tpu_sc as plsc

NPC = 1024
K = 16

_HI = jax.lax.Precision.HIGHEST
_LO = jax.lax.Precision.DEFAULT


def _conv1_kernel(pos_ref, x_ref,
                  W10_ref, b10_ref, g10_ref, be10_ref,
                  W11_ref, b11_ref, g11_ref, be11_ref,
                  W12_ref, b12_ref, g12_ref, be12_ref,
                  x1_ref, idx_ref, d_ref):
    f32 = jnp.float32
    x0 = jnp.concatenate([pos_ref[...], x_ref[...]], axis=1)

    gram = jax.lax.dot_general(x0, x0, (((1,), (1,)), ((), ())),
                               precision=_HI)
    sq = jnp.sum(x0 * x0, axis=1, keepdims=True)
    d_ref[...] = sq - 2.0 * gram

    base = pl.program_id(0) * NPC

    x08 = jnp.concatenate([x0, -x0], axis=1)
    A1 = jnp.dot(x08, W10_ref[...], precision=_HI) + b10_ref[...]
    z4 = jnp.zeros_like(x0)
    B1 = jnp.dot(jnp.concatenate([z4, x0], axis=1), W10_ref[...], precision=_HI)
    icol = jax.lax.broadcasted_iota(jnp.int32, (NPC, 1), 0)
    B1b = jnp.concatenate(
        [B1, (icol // 32).astype(f32), (icol % 32).astype(f32)],
        axis=1).astype(jnp.bfloat16)
    W11b = W11_ref[...].astype(jnp.bfloat16)
    W12b = W12_ref[...].astype(jnp.bfloat16)

    m0 = jnp.min(d_ref[...], axis=0, keepdims=True)

    def conv1_step(k, carry):
        m_cur, x1, acc_idx = carry
        keys = d_ref[...]
        sel = keys == m_cur
        m_next = jnp.min(jnp.where(keys > m_cur, keys, jnp.inf), axis=0,
                         keepdims=True)
        oh = sel.astype(jnp.bfloat16)
        b1j_aug = jax.lax.dot_general(oh, B1b, (((0,), (0,)), ((), ())),
                                      precision=_LO,
                                      preferred_element_type=f32)
        b1j = b1j_aug[:, 0:64]
        idxf = b1j_aug[:, 64:65] * 32.0 + b1j_aug[:, 65:66]
        r = jnp.clip(idxf, 0.0, NPC - 1.0).astype(jnp.int32) + base
        ek = jax.lax.broadcasted_iota(jnp.int32, (1, K), 1) == k
        acc_idx = jnp.where(ek, r, acc_idx)
        t = jnp.maximum(A1 + b1j, 0.0) * g10_ref[...] + be10_ref[...]
        t = (jnp.maximum(jnp.dot(t.astype(jnp.bfloat16), W11b, precision=_LO,
                                 preferred_element_type=f32) + b11_ref[...],
                         0.0) * g11_ref[...] + be11_ref[...])
        t = (jnp.maximum(jnp.dot(t.astype(jnp.bfloat16), W12b, precision=_LO,
                                 preferred_element_type=f32) + b12_ref[...],
                         0.0) * g12_ref[...] + be12_ref[...])
        return m_next, jnp.maximum(x1, t), acc_idx

    _, x1, acc_idx = jax.lax.fori_loop(
        0, K, conv1_step,
        (m0, jnp.full((NPC, 64), -jnp.inf, f32),
         jnp.zeros((NPC, K), jnp.int32)))
    x1_ref[...] = x1
    idx_ref[...] = acc_idx


def _conv2_kernel(x1_ref, g_ref,
                  W2_ref, b2_ref, g2_ref, be2_ref,
                  Wlin_ref, blin_ref,
                  out_ref):
    f32 = jnp.float32
    x1 = x1_ref[...]
    W2a = W2_ref[0:64, :]
    W2b = W2_ref[64:128, :]
    R = jnp.dot(x1, W2a - W2b, precision=_HI) + b2_ref[...]
    W2bb = W2b.astype(jnp.bfloat16)

    def conv2_step(k, x2):
        xj = g_ref[k, 0]
        q = jnp.dot(xj.astype(jnp.bfloat16), W2bb, precision=_LO,
                    preferred_element_type=f32)
        t = jnp.maximum(R + q, 0.0) * g2_ref[...] + be2_ref[...]
        return jnp.maximum(x2, t)

    x2 = jax.lax.fori_loop(0, K, conv2_step,
                           jnp.full((NPC, 128), -jnp.inf, f32))

    out1 = (jnp.dot(jnp.concatenate([x1, x2], axis=1).astype(jnp.bfloat16),
                    Wlin_ref[...].astype(jnp.bfloat16), precision=_LO,
                    preferred_element_type=f32)
            + blin_ref[...])
    out_ref[0] = jnp.max(out1, axis=0, keepdims=True)


def _head_kernel(p_ref, Wh0_ref, bh0_ref, Wh1_ref, bh1_ref, Wh2_ref, bh2_ref,
                 out_ref):
    h = jnp.maximum(jnp.dot(p_ref[...], Wh0_ref[...], precision=_HI)
                    + bh0_ref[...], 0.0)
    h = jnp.maximum(jnp.dot(h, Wh1_ref[...], precision=_HI) + bh1_ref[...], 0.0)
    l = jnp.dot(h, Wh2_ref[...], precision=_HI) + bh2_ref[...]
    m = jnp.max(l, axis=1, keepdims=True)
    out_ref[...] = (l - m) - jnp.log(jnp.sum(jnp.exp(l - m), axis=1,
                                             keepdims=True))


def _full(shape):
    return pl.BlockSpec(shape, lambda *a: tuple(0 for _ in shape))


def _sc_gather(table, idx_flat):
    n_idx = idx_flat.shape[0]
    d = table.shape[1]
    info = plsc.get_sparse_core_info()
    nw = info.num_cores * info.num_subcores
    b_per_w = n_idx // nw
    chunk = 1024
    n_chunks = b_per_w // chunk
    mesh = plsc.VectorSubcoreMesh(core_axis_name="c", subcore_axis_name="s")

    @functools.partial(
        pl.kernel, mesh=mesh,
        out_type=jax.ShapeDtypeStruct((n_idx, d), table.dtype),
        compiler_params=pltpu.CompilerParams(use_tc_tiling_on_sc=False),
        scratch_types=[
            pltpu.VMEM((chunk,), jnp.int32),
            pltpu.VMEM((chunk, d), table.dtype),
            pltpu.SemaphoreType.DMA,
        ],
    )
    def k(table_hbm, idx_hbm, out_hbm, idx_v, rows_v, sem):
        wid = lax.axis_index("s") * info.num_cores + lax.axis_index("c")
        base = wid * b_per_w

        @pl.loop(0, n_chunks)
        def _(g):
            off = base + g * chunk
            pltpu.sync_copy(idx_hbm.at[pl.ds(off, chunk)], idx_v)
            pltpu.async_copy(table_hbm.at[idx_v], rows_v, sem).wait()
            pltpu.sync_copy(rows_v, out_hbm.at[pl.ds(off, chunk)])

    return k(table, idx_flat)


def _stage(pos, x, cw):
    n = pos.shape[0]
    nb = n // NPC
    (W1_0, b1_0, g1_0, be1_0, W1_1, b1_1, g1_1, be1_1,
     W1_2, b1_2, g1_2, be1_2, W2, b2, g2, be2, Wlin, blin) = cw

    x1, idx = pl.pallas_call(
        _conv1_kernel,
        grid=(nb,),
        in_specs=[
            pl.BlockSpec((NPC, 3), lambda c: (c, 0)),
            pl.BlockSpec((NPC, 1), lambda c: (c, 0)),
            _full(W1_0.shape), _full(b1_0.shape), _full(g1_0.shape),
            _full(be1_0.shape),
            _full(W1_1.shape), _full(b1_1.shape), _full(g1_1.shape),
            _full(be1_1.shape),
            _full(W1_2.shape), _full(b1_2.shape), _full(g1_2.shape),
            _full(be1_2.shape),
        ],
        out_specs=[pl.BlockSpec((NPC, 64), lambda c: (c, 0)),
                   pl.BlockSpec((NPC, K), lambda c: (c, 0))],
        out_shape=[jax.ShapeDtypeStruct((n, 64), jnp.float32),
                   jax.ShapeDtypeStruct((n, K), jnp.int32)],
        scratch_shapes=[pltpu.VMEM((NPC, NPC), jnp.float32)],
    )(pos, x, W1_0, b1_0, g1_0, be1_0, W1_1, b1_1, g1_1, be1_1,
      W1_2, b1_2, g1_2, be1_2)

    idx_flat = idx.transpose(1, 0).reshape(K * n)
    gathered = _sc_gather(x1, idx_flat)
    gathered = gathered.reshape(K, nb, NPC, 64)

    pooled = pl.pallas_call(
        _conv2_kernel,
        grid=(nb,),
        in_specs=[
            pl.BlockSpec((NPC, 64), lambda c: (c, 0)),
            pl.BlockSpec((K, 1, NPC, 64), lambda c: (0, c, 0, 0)),
            _full(W2.shape), _full(b2.shape), _full(g2.shape), _full(be2.shape),
            _full(Wlin.shape), _full(blin.shape),
        ],
        out_specs=pl.BlockSpec((1, 1, 1024), lambda c: (c, 0, 0)),
        out_shape=jax.ShapeDtypeStruct((nb, 1, 1024), jnp.float32),
    )(x1, gathered, W2, b2, g2, be2, Wlin, blin)
    return pooled.reshape(nb, 1024)


def _forward(pos, x, batch, W1_0, b1_0, g1_0, be1_0, W1_1, b1_1, g1_1, be1_1,
             W1_2, b1_2, g1_2, be1_2, W2, b2, g2, be2, Wlin, blin,
             Wh0, bh0, Wh1, bh1, Wh2, bh2):
    del batch
    n = pos.shape[0]
    nb = n // NPC
    cw = (W1_0, b1_0, g1_0, be1_0, W1_1, b1_1, g1_1, be1_1,
          W1_2, b1_2, g1_2, be1_2, W2, b2, g2, be2, Wlin, blin)

    groups = 2 if nb % 2 == 0 else 1
    ng = n // groups
    pooled = jnp.concatenate(
        [_stage(pos[g * ng:(g + 1) * ng], x[g * ng:(g + 1) * ng], cw)
         for g in range(groups)], axis=0)

    logp = pl.pallas_call(
        _head_kernel,
        in_specs=[_full(pooled.shape), _full(Wh0.shape), _full(bh0.shape),
                  _full(Wh1.shape), _full(bh1.shape), _full(Wh2.shape),
                  _full(bh2.shape)],
        out_specs=_full((nb, Wh2.shape[1])),
        out_shape=jax.ShapeDtypeStruct((nb, Wh2.shape[1]), jnp.float32),
    )(pooled, Wh0, bh0, Wh1, bh1, Wh2, bh2)
    return logp


def kernel(pos, x, batch, W1_0, b1_0, g1_0, be1_0, W1_1, b1_1, g1_1, be1_1,
           W1_2, b1_2, g1_2, be1_2, W2, b2, g2, be2, Wlin, blin,
           Wh0, bh0, Wh1, bh1, Wh2, bh2):
    return _forward(pos, x, batch, W1_0, b1_0, g1_0, be1_0, W1_1, b1_1, g1_1,
                    be1_1, W1_2, b1_2, g1_2, be1_2, W2, b2, g2, be2, Wlin,
                    blin, Wh0, bh0, Wh1, bh1, Wh2, bh2)

# --- scband reference (transcript-rebuilt; emitter-appended) ---
"""Pipeline reference for scband-net-27530740367671 (READ-ONLY COPY).

The authoritative reference and input builder live on the scoring server;
editing this copy changes nothing except your own understanding.
"""

import jax, jax.numpy as jnp
import numpy as np

B, NPC, K = 32, 1024, 16
N = B * NPC
NUM_CLASSES = 40

def _init_lin(key, fi, fo):
    return jax.random.normal(key, (fi, fo), jnp.float32) * (1.0 / np.sqrt(fi))

def setup_inputs(seed: int = 0):
    key = jax.random.key(seed)
    ks = jax.random.split(key, 16)
    inp = {}
    inp['pos'] = jax.random.normal(ks[0], (N, 3), jnp.float32)
    inp['x'] = jax.random.normal(ks[1], (N, 1), jnp.float32)
    inp['batch'] = jnp.repeat(jnp.arange(B, dtype=jnp.int64), NPC)
    dims1 = [(8, 64), (64, 64), (64, 64)]
    for li, (fi, fo) in enumerate(dims1):
        inp['W1_%d' % li] = _init_lin(ks[2 + li], fi, fo)
        inp['b1_%d' % li] = jnp.zeros((fo,), jnp.float32)
        inp['g1_%d' % li] = jnp.ones((fo,), jnp.float32)
        inp['be1_%d' % li] = jnp.zeros((fo,), jnp.float32)
    inp['W2'] = _init_lin(ks[5], 128, 128)
    inp['b2'] = jnp.zeros((128,), jnp.float32)
    inp['g2'] = jnp.ones((128,), jnp.float32)
    inp['be2'] = jnp.zeros((128,), jnp.float32)
    inp['Wlin'] = _init_lin(ks[6], 192, 1024)
    inp['blin'] = jnp.zeros((1024,), jnp.float32)
    inp['Wh0'] = _init_lin(ks[7], 1024, 512)
    inp['bh0'] = jnp.zeros((512,), jnp.float32)
    inp['Wh1'] = _init_lin(ks[8], 512, 256)
    inp['bh1'] = jnp.zeros((256,), jnp.float32)
    inp['Wh2'] = _init_lin(ks[9], 256, NUM_CLASSES)
    inp['bh2'] = jnp.zeros((NUM_CLASSES,), jnp.float32)
    return inp

def _knn_edges(feat):
    fb = feat.reshape(B, NPC, -1)
    def per_cloud(fc):
        sq = jnp.sum(fc * fc, axis=1)
        d2 = sq[:, None] + sq[None, :] - 2.0 * (fc @ fc.T)
        _, idx = jax.lax.top_k(-d2, K)
        return idx
    idx = jax.vmap(per_cloud)(fb)
    idx = idx + (jnp.arange(B) * NPC)[:, None, None]
    src = idx.reshape(-1)
    dst = jnp.repeat(jnp.arange(N), K)
    return src, dst

def _mlp(h, layers):
    # DGCNN-example style MLP: Linear -> ReLU -> BatchNorm (eval mode, affine only)
    for (W, b, g, be) in layers:
        h = jnp.maximum(h @ W + b, 0.0)
        h = h * g + be
    return h

def reference(pos, x, batch, W1_0, b1_0, g1_0, be1_0, W1_1, b1_1, g1_1, be1_1, W1_2, b1_2, g1_2, be1_2, W2, b2, g2, be2, Wlin, blin, Wh0, bh0, Wh1, bh1, Wh2, bh2):
    x0 = jnp.concatenate([pos, x], axis=1)  # [N, 4]
    # DynamicEdgeConv2: kNN graph in feature space (per cloud), then EdgeConv with max aggr
    src, dst = _knn_edges(x0)
    xi = x0[dst]
    xj = x0[src]
    m1 = _mlp(jnp.concatenate([xi, xj - xi], axis=1), [(W1_0, b1_0, g1_0, be1_0), (W1_1, b1_1, g1_1, be1_1), (W1_2, b1_2, g1_2, be1_2)])
    x1 = jax.ops.segment_max(m1, dst, num_segments=N)  # [N, 64]
    # EdgeConv reusing conv1's edge_index
    xi2 = x1[dst]
    xj2 = x1[src]
    m2 = _mlp(jnp.concatenate([xi2, xj2 - xi2], axis=1), [(W2, b2, g2, be2)])
    x2 = jax.ops.segment_max(m2, dst, num_segments=N)  # [N, 128]
    out1 = jnp.concatenate([x1, x2], axis=1) @ Wlin + blin  # [N, 1024]
    out2 = jax.ops.segment_max(out1, batch, num_segments=B)  # global max pool per cloud
    h = jnp.maximum(out2 @ Wh0 + bh0, 0.0)
    h = jnp.maximum(h @ Wh1 + bh1, 0.0)  # dropout is identity in eval
    logits = h @ Wh2 + bh2
    return jax.nn.log_softmax(logits, axis=1)

if __name__ == "__main__":
    import jax
    _d = setup_inputs()
    print(jax.jit(kernel)(*tuple(_d.values())))

</pallas_src>

<mosaic_0001>
#map = affine_map<(d0, d1) -> (0, 0)>
#map1 = affine_map<(d0, d1) -> (0)>
module attributes {stable_mosaic.version = 14 : i64} {
  func.func @k(%arg0: i32, %arg1: i32, %arg2: memref<16384x64xf32, #tpu.memory_space<hbm>>, %arg3: memref<262144xi32, #tpu.memory_space<hbm>>, %arg4: memref<262144x64xf32, #tpu.memory_space<hbm>>, %arg5: memref<1024xi32, #tpu.memory_space<vmem>>, %arg6: memref<1024x64xf32, #tpu.memory_space<vmem>>, %arg7: memref<!tpu.dma_semaphore, #tpu.memory_space<semaphore_mem>>) attributes {dimension_semantics = [#tpu.dimension_semantics<core_parallel>, #tpu.dimension_semantics<subcore_parallel>], iteration_bounds = array<i64: 2, 16>, scalar_prefetch = 0 : i64, scratch_operands = 3 : i64, tpu.core_type = #tpu.core_type<sc_vector_subcore>, window_params = [{transform_indices = #map}, {transform_indices = #map1}, {transform_indices = #map}]} {
    %mul3A = arith.constant 2 : i32
    %mul3A_0 = arith.muli %arg1, %mul3A : i32
    %add3A = arith.addi %mul3A_0, %arg0 : i32
    %mul3A_1 = arith.constant 8192 : i32
    %mul3A_2 = arith.muli %add3A, %mul3A_1 : i32
    %scan3A = arith.constant 0 : i32
    %scan3A_3 = arith.constant 8 : i32
    %scan3A_4 = arith.addi %scan3A, %scan3A_3 : i32
    %scan3A_5 = arith.constant 1 : i32
    scf.for %scan3A_7 = %scan3A to %scan3A_4 step %scan3A_5  : i32 {
      %mul3A_8 = arith.constant 1 : i32
      %mul3A_9 = arith.muli %scan3A_7, %mul3A_8 : i32
      %add3A_10 = arith.constant 0 : i32
      %add3A_11 = arith.addi %add3A_10, %mul3A_9 : i32
      %mul3A_12 = arith.constant 1024 : i32
      %mul3A_13 = arith.muli %add3A_11, %mul3A_12 : i32
      %add3A_14 = arith.addi %mul3A_2, %mul3A_13 : i32
      "tpu.region"() ({
        %run_scoped3A = tpu.sem_alloc : memref<!tpu.dma_semaphore, #tpu.memory_space<semaphore_mem>>
        %dma_start3A_19 = tpu.memref_slice %arg3[%add3A_14] : memref<262144xi32, #tpu.memory_space<hbm>> -> memref<1024xi32, #tpu.memory_space<hbm>>
        %dma_start3A_20 = tpu.memref_slice %arg3[%add3A_14] : memref<262144xi32, #tpu.memory_space<hbm>> -> memref<1024xi32, #tpu.memory_space<hbm>>
        tpu.enqueue_dma source(%dma_start3A_20 : memref<1024xi32, #tpu.memory_space<hbm>>) target(%arg5 : memref<1024xi32, #tpu.memory_space<vmem>>) target_semaphore(%run_scoped3A : memref<!tpu.dma_semaphore, #tpu.memory_space<semaphore_mem>>)
        %dma_wait3A_21 = tpu.memref_slice %arg3[%add3A_14] : memref<262144xi32, #tpu.memory_space<hbm>> -> memref<1024xi32, #tpu.memory_space<hbm>>
        %dma_wait3A_22 = tpu.memref_slice %arg3[%add3A_14] : memref<262144xi32, #tpu.memory_space<hbm>> -> memref<1024xi32, #tpu.memory_space<hbm>>
        tpu.wait_dma2 semaphore(%run_scoped3A : memref<!tpu.dma_semaphore, #tpu.memory_space<semaphore_mem>>) src(%dma_wait3A_22 : memref<1024xi32, #tpu.memory_space<hbm>>) dst(%arg5 : memref<1024xi32, #tpu.memory_space<vmem>>)
        tpu.yield
      }) : () -> ()
      %dma_start3A = arith.constant 0 : i32
      %dma_start3A_15 = arith.constant 0 : i32
      %dma_start3A_16 = tpu.memref_slice %arg2[%dma_start3A, %dma_start3A_15] : memref<16384x64xf32, #tpu.memory_space<hbm>> -> memref<16384x64xf32, #tpu.memory_space<hbm>>
      tpu.enqueue_indirect_dma source(%dma_start3A_16 : memref<16384x64xf32, #tpu.memory_space<hbm>>) target(%arg6 : memref<1024x64xf32, #tpu.memory_space<vmem>>) offsets(%arg5 : memref<1024xi32, #tpu.memory_space<vmem>>) semaphore(%arg7 : memref<!tpu.dma_semaphore, #tpu.memory_space<semaphore_mem>>)
      %dma_wait3A = arith.constant 0 : i32
      %dma_wait3A_17 = arith.constant 0 : i32
      %dma_wait3A_18 = tpu.memref_slice %arg2[%dma_wait3A, %dma_wait3A_17] : memref<16384x64xf32, #tpu.memory_space<hbm>> -> memref<16384x64xf32, #tpu.memory_space<hbm>>
      tpu.wait_indirect_dma semaphore(%arg7 : memref<!tpu.dma_semaphore, #tpu.memory_space<semaphore_mem>>) src(%dma_wait3A_18 : memref<16384x64xf32, #tpu.memory_space<hbm>>) dst(%arg6 : memref<1024x64xf32, #tpu.memory_space<vmem>>)
      "tpu.region"() ({
        %run_scoped3A = tpu.sem_alloc : memref<!tpu.dma_semaphore, #tpu.memory_space<semaphore_mem>>
        %dma_start3A_19 = arith.constant 0 : i32
        %dma_start3A_20 = tpu.memref_slice %arg4[%add3A_14, %dma_start3A_19] : memref<262144x64xf32, #tpu.memory_space<hbm>> -> memref<1024x64xf32, #tpu.memory_space<hbm>>
        %dma_start3A_21 = arith.constant 0 : i32
        %dma_start3A_22 = tpu.memref_slice %arg4[%add3A_14, %dma_start3A_21] : memref<262144x64xf32, #tpu.memory_space<hbm>> -> memref<1024x64xf32, #tpu.memory_space<hbm>>
        tpu.enqueue_dma source(%arg6 : memref<1024x64xf32, #tpu.memory_space<vmem>>) target(%dma_start3A_22 : memref<1024x64xf32, #tpu.memory_space<hbm>>) target_semaphore(%run_scoped3A : memref<!tpu.dma_semaphore, #tpu.memory_space<semaphore_mem>>)
        %dma_wait3A_23 = arith.constant 0 : i32
        %dma_wait3A_24 = tpu.memref_slice %arg4[%add3A_14, %dma_wait3A_23] : memref<262144x64xf32, #tpu.memory_space<hbm>> -> memref<1024x64xf32, #tpu.memory_space<hbm>>
        %dma_wait3A_25 = arith.constant 0 : i32
        %dma_wait3A_26 = tpu.memref_slice %arg4[%add3A_14, %dma_wait3A_25] : memref<262144x64xf32, #tpu.memory_space<hbm>> -> memref<1024x64xf32, #tpu.memory_space<hbm>>
        tpu.wait_dma2 semaphore(%run_scoped3A : memref<!tpu.dma_semaphore, #tpu.memory_space<semaphore_mem>>) src(%arg6 : memref<1024x64xf32, #tpu.memory_space<vmem>>) dst(%dma_wait3A_26 : memref<1024x64xf32, #tpu.memory_space<hbm>>)
        tpu.yield
      }) : () -> ()
    }
    %scan3A_6 = arith.constant 8 : i32
    return
  }
}

#map = affine_map<(d0, d1) -> (0, 0)>
#map1 = affine_map<(d0, d1) -> (0)>
module attributes {stable_mosaic.version = 14 : i64} {
  func.func @k(%arg0: i32, %arg1: i32, %arg2: memref<16384x64xf32, #tpu.memory_space<hbm>>, %arg3: memref<262144xi32, #tpu.memory_space<hbm>>, %arg4: memref<262144x64xf32, #tpu.memory_space<hbm>>, %arg5: memref<1024xi32, #tpu.memory_space<vmem>>, %arg6: memref<1024x64xf32, #tpu.memory_space<vmem>>, %arg7: memref<!tpu.dma_semaphore, #tpu.memory_space<semaphore_mem>>) attributes {dimension_semantics = [#tpu.dimension_semantics<core_parallel>, #tpu.dimension_semantics<subcore_parallel>], iteration_bounds = array<i64: 2, 16>, scalar_prefetch = 0 : i64, scratch_operands = 3 : i64, tpu.core_type = #tpu.core_type<sc_vector_subcore>, window_params = [{transform_indices = #map}, {transform_indices = #map1}, {transform_indices = #map}]} {
    %mul3A = arith.constant 2 : i32
    %mul3A_0 = arith.muli %arg1, %mul3A : i32
    %add3A = arith.addi %mul3A_0, %arg0 : i32
    %mul3A_1 = arith.constant 8192 : i32
    %mul3A_2 = arith.muli %add3A, %mul3A_1 : i32
    %scan3A = arith.constant 0 : i32
    %scan3A_3 = arith.constant 8 : i32
    %scan3A_4 = arith.addi %scan3A, %scan3A_3 : i32
    %scan3A_5 = arith.constant 1 : i32
    scf.for %scan3A_7 = %scan3A to %scan3A_4 step %scan3A_5  : i32 {
      %mul3A_8 = arith.constant 1 : i32
      %mul3A_9 = arith.muli %scan3A_7, %mul3A_8 : i32
      %add3A_10 = arith.constant 0 : i32
      %add3A_11 = arith.addi %add3A_10, %mul3A_9 : i32
      %mul3A_12 = arith.constant 1024 : i32
      %mul3A_13 = arith.muli %add3A_11, %mul3A_12 : i32
      %add3A_14 = arith.addi %mul3A_2, %mul3A_13 : i32
      "tpu.region"() ({
        %run_scoped3A = tpu.sem_alloc : memref<!tpu.dma_semaphore, #tpu.memory_space<semaphore_mem>>
        %dma_start3A_19 = tpu.memref_slice %arg3[%add3A_14] : memref<262144xi32, #tpu.memory_space<hbm>> -> memref<1024xi32, #tpu.memory_space<hbm>>
        %dma_start3A_20 = tpu.memref_slice %arg3[%add3A_14] : memref<262144xi32, #tpu.memory_space<hbm>> -> memref<1024xi32, #tpu.memory_space<hbm>>
        tpu.enqueue_dma source(%dma_start3A_20 : memref<1024xi32, #tpu.memory_space<hbm>>) target(%arg5 : memref<1024xi32, #tpu.memory_space<vmem>>) target_semaphore(%run_scoped3A : memref<!tpu.dma_semaphore, #tpu.memory_space<semaphore_mem>>)
        %dma_wait3A_21 = tpu.memref_slice %arg3[%add3A_14] : memref<262144xi32, #tpu.memory_space<hbm>> -> memref<1024xi32, #tpu.memory_space<hbm>>
        %dma_wait3A_22 = tpu.memref_slice %arg3[%add3A_14] : memref<262144xi32, #tpu.memory_space<hbm>> -> memref<1024xi32, #tpu.memory_space<hbm>>
        tpu.wait_dma2 semaphore(%run_scoped3A : memref<!tpu.dma_semaphore, #tpu.memory_space<semaphore_mem>>) src(%dma_wait3A_22 : memref<1024xi32, #tpu.memory_space<hbm>>) dst(%arg5 : memref<1024xi32, #tpu.memory_space<vmem>>)
        tpu.yield
      }) : () -> ()
      %dma_start3A = arith.constant 0 : i32
      %dma_start3A_15 = arith.constant 0 : i32
      %dma_start3A_16 = tpu.memref_slice %arg2[%dma_start3A, %dma_start3A_15] : memref<16384x64xf32, #tpu.memory_space<hbm>> -> memref<16384x64xf32, #tpu.memory_space<hbm>>
      tpu.enqueue_indirect_dma source(%dma_start3A_16 : memref<16384x64xf32, #tpu.memory_space<hbm>>) target(%arg6 : memref<1024x64xf32, #tpu.memory_space<vmem>>) offsets(%arg5 : memref<1024xi32, #tpu.memory_space<vmem>>) semaphore(%arg7 : memref<!tpu.dma_semaphore, #tpu.memory_space<semaphore_mem>>)
      %dma_wait3A = arith.constant 0 : i32
      %dma_wait3A_17 = arith.constant 0 : i32
      %dma_wait3A_18 = tpu.memref_slice %arg2[%dma_wait3A, %dma_wait3A_17] : memref<16384x64xf32, #tpu.memory_space<hbm>> -> memref<16384x64xf32, #tpu.memory_space<hbm>>
      tpu.wait_indirect_dma semaphore(%arg7 : memref<!tpu.dma_semaphore, #tpu.memory_space<semaphore_mem>>) src(%dma_wait3A_18 : memref<16384x64xf32, #tpu.memory_space<hbm>>) dst(%arg6 : memref<1024x64xf32, #tpu.memory_space<vmem>>)
      "tpu.region"() ({
        %run_scoped3A = tpu.sem_alloc : memref<!tpu.dma_semaphore, #tpu.memory_space<semaphore_mem>>
        %dma_start3A_19 = arith.constant 0 : i32
        %dma_start3A_20 = tpu.memref_slice %arg4[%add3A_14, %dma_start3A_19] : memref<262144x64xf32, #tpu.memory_space<hbm>> -> memref<1024x64xf32, #tpu.memory_space<hbm>>
        %dma_start3A_21 = arith.constant 0 : i32
        %dma_start3A_22 = tpu.memref_slice %arg4[%add3A_14, %dma_start3A_21] : memref<262144x64xf32, #tpu.memory_space<hbm>> -> memref<1024x64xf32, #tpu.memory_space<hbm>>
        tpu.enqueue_dma source(%arg6 : memref<1024x64xf32, #tpu.memory_space<vmem>>) target(%dma_start3A_22 : memref<1024x64xf32, #tpu.memory_space<hbm>>) target_semaphore(%run_scoped3A : memref<!tpu.dma_semaphore, #tpu.memory_space<semaphore_mem>>)
        %dma_wait3A_23 = arith.constant 0 : i32
        %dma_wait3A_24 = tpu.memref_slice %arg4[%add3A_14, %dma_wait3A_23] : memref<262144x64xf32, #tpu.memory_space<hbm>> -> memref<1024x64xf32, #tpu.memory_space<hbm>>
        %dma_wait3A_25 = arith.constant 0 : i32
        %dma_wait3A_26 = tpu.memref_slice %arg4[%add3A_14, %dma_wait3A_25] : memref<262144x64xf32, #tpu.memory_space<hbm>> -> memref<1024x64xf32, #tpu.memory_space<hbm>>
        tpu.wait_dma2 semaphore(%run_scoped3A : memref<!tpu.dma_semaphore, #tpu.memory_space<semaphore_mem>>) src(%arg6 : memref<1024x64xf32, #tpu.memory_space<vmem>>) dst(%dma_wait3A_26 : memref<1024x64xf32, #tpu.memory_space<hbm>>)
        tpu.yield
      }) : () -> ()
    }
    %scan3A_6 = arith.constant 8 : i32
    return
  }
}

module attributes {stable_mosaic.version = 14 : i64} {
  func.func @_conv1_kernel(%arg0: i32, %arg1: memref<1024x3xf32, #tpu.memory_space<vmem>>, %arg2: memref<1024x1xf32, #tpu.memory_space<vmem>>, %arg3: memref<8x64xf32, #tpu.memory_space<vmem>>, %arg4: memref<64xf32, #tpu.memory_space<vmem>>, %arg5: memref<64xf32, #tpu.memory_space<vmem>>, %arg6: memref<64xf32, #tpu.memory_space<vmem>>, %arg7: memref<64x64xf32, #tpu.memory_space<vmem>>, %arg8: memref<64xf32, #tpu.memory_space<vmem>>, %arg9: memref<64xf32, #tpu.memory_space<vmem>>, %arg10: memref<64xf32, #tpu.memory_space<vmem>>, %arg11: memref<64x64xf32, #tpu.memory_space<vmem>>, %arg12: memref<64xf32, #tpu.memory_space<vmem>>, %arg13: memref<64xf32, #tpu.memory_space<vmem>>, %arg14: memref<64xf32, #tpu.memory_space<vmem>>, %arg15: memref<1024x64xf32, #tpu.memory_space<vmem>>, %arg16: memref<1024x16xi32, #tpu.memory_space<vmem>>, %arg17: memref<1024x1024xf32, #tpu.memory_space<vmem>>) attributes {dimension_semantics = [#tpu.dimension_semantics<arbitrary>], iteration_bounds = array<i64: 16>, scalar_prefetch = 0 : i64, scratch_operands = 1 : i64, tpu.core_type = #tpu.core_type<tc>, window_params = [{transform_indices = @transform_0, window_bounds = array<i64: 1024, 3>}, {transform_indices = @transform_1, window_bounds = array<i64: 1024, 1>}, {pipeline_mode = #tpu.pipeline_mode<synchronous>, transform_indices = @transform_2, window_bounds = array<i64: 8, 64>}, {pipeline_mode = #tpu.pipeline_mode<synchronous>, transform_indices = @transform_3, window_bounds = array<i64: 64>}, {pipeline_mode = #tpu.pipeline_mode<synchronous>, transform_indices = @transform_4, window_bounds = array<i64: 64>}, {pipeline_mode = #tpu.pipeline_mode<synchronous>, transform_indices = @transform_5, window_bounds = array<i64: 64>}, {pipeline_mode = #tpu.pipeline_mode<synchronous>, transform_indices = @transform_6, window_bounds = array<i64: 64, 64>}, {pipeline_mode = #tpu.pipeline_mode<synchronous>, transform_indices = @transform_7, window_bounds = array<i64: 64>}, {pipeline_mode = #tpu.pipeline_mode<synchronous>, transform_indices = @transform_8, window_bounds = array<i64: 64>}, {pipeline_mode = #tpu.pipeline_mode<synchronous>, transform_indices = @transform_9, window_bounds = array<i64: 64>}, {pipeline_mode = #tpu.pipeline_mode<synchronous>, transform_indices = @transform_10, window_bounds = array<i64: 64, 64>}, {pipeline_mode = #tpu.pipeline_mode<synchronous>, transform_indices = @transform_11, window_bounds = array<i64: 64>}, {pipeline_mode = #tpu.pipeline_mode<synchronous>, transform_indices = @transform_12, window_bounds = array<i64: 64>}, {pipeline_mode = #tpu.pipeline_mode<synchronous>, transform_indices = @transform_13, window_bounds = array<i64: 64>}, {transform_indices = @transform_14, window_bounds = array<i64: 1024, 64>}, {transform_indices = @transform_15, window_bounds = array<i64: 1024, 16>}]} {
    %get3A = arith.constant 0 : index
    %get3A_0 = arith.constant 0 : index
    %get3A_1 = vector.load %arg1[%get3A, %get3A_0] : memref<1024x3xf32, #tpu.memory_space<vmem>>, vector<1024x3xf32>
    %get3A_2 = arith.constant 0 : index
    %get3A_3 = arith.constant 0 : index
    %get3A_4 = vector.load %arg2[%get3A_2, %get3A_3] : memref<1024x1xf32, #tpu.memory_space<vmem>>, vector<1024x1xf32>
    %concatenate3A = tpu.concatenate %get3A_1, %get3A_4 in 1 : vector<1024x3xf32>, vector<1024x1xf32> -> vector<1024x4xf32>
    %dot_general3A = arith.constant dense<0.000000e+00> : vector<1024x1024xf32>
    %dot_general3A_5 = tpu.matmul %concatenate3A, %concatenate3A, %dot_general3A {dimension_numbers = #tpu.dot_dimension_numbers<[1], [1], [0], [0], [0, 0, 1, 0], [], []>, precision = #tpu.contract_precision<fp32>, transpose_lhs_hint = false} : vector<1024x4xf32>, vector<1024x4xf32>, vector<1024x1024xf32> -> vector<1024x1024xf32>
    %mul3A = arith.mulf %concatenate3A, %concatenate3A : vector<1024x4xf32>
    %reduce_sum3A = arith.constant dense<0.000000e+00> : vector<1024xf32>
    %reduce_sum3A_6 = vector.multi_reduction <add>, %mul3A, %reduce_sum3A [1] : vector<1024x4xf32> to vector<1024xf32>
    %broadcast_in_dim3A = vector.shape_cast %reduce_sum3A_6 : vector<1024xf32> to vector<1024x1xf32>
    %mul3A_7 = arith.constant 2.000000e+00 : f32
    %mul3A_8 = vector.broadcast %mul3A_7 : f32 to vector<1024x1024xf32>
    %mul3A_9 = arith.mulf %mul3A_8, %dot_general3A_5 : vector<1024x1024xf32>
    %sub3A = vector.broadcast %broadcast_in_dim3A : vector<1024x1xf32> to vector<1024x1024xf32>
    %sub3A_10 = arith.subf %sub3A, %mul3A_9 : vector<1024x1024xf32>
    %swap3A = arith.constant 0 : index
    %swap3A_11 = arith.constant 0 : index
    %swap3A_12 = vector.load %arg17[%swap3A, %swap3A_11] : memref<1024x1024xf32, #tpu.memory_space<vmem>>, vector<1024x1024xf32>
    tpu.vector_store %arg17[%swap3A, %swap3A_11], %sub3A_10 {strides = array<i32>} : memref<1024x1024xf32, #tpu.memory_space<vmem>>, vector<1024x1024xf32>,
    %mul3A_13 = arith.constant 1024 : i32
    %mul3A_14 = arith.muli %arg0, %mul3A_13 : i32
    %neg3A = arith.constant 0.000000e+00 : f32
    %neg3A_15 = vector.broadcast %neg3A : f32 to vector<1024x4xf32>
    %neg3A_16 = arith.subf %neg3A_15, %concatenate3A : vector<1024x4xf32>
    %concatenate3A_17 = tpu.concatenate %concatenate3A, %neg3A_16 in 1 : vector<1024x4xf32>, vector<1024x4xf32> -> vector<1024x8xf32>
    %get3A_18 = arith.constant 0 : index
    %get3A_19 = arith.constant 0 : index
    %get3A_20 = vector.load %arg3[%get3A_18, %get3A_19] : memref<8x64xf32, #tpu.memory_space<vmem>>, vector<8x64xf32>
    %dot_general3A_21 = arith.constant dense<0.000000e+00> : vector<1024x64xf32>
    %dot_general3A_22 = tpu.matmul %concatenate3A_17, %get3A_20, %dot_general3A_21 {dimension_numbers = #tpu.dot_dimension_numbers<[1], [0], [0], [1], [0, 0, 1, 1], [], []>, precision = #tpu.contract_precision<fp32>, transpose_lhs_hint = false} : vector<1024x8xf32>, vector<8x64xf32>, vector<1024x64xf32> -> vector<1024x64xf32>
    %get3A_23 = arith.constant 0 : index
    %get3A_24 = vector.load %arg4[%get3A_23] : memref<64xf32, #tpu.memory_space<vmem>>, vector<64xf32>
    %broadcast_in_dim3A_25 = vector.shape_cast %get3A_24 : vector<64xf32> to vector<1x64xf32>
    %add3A = vector.broadcast %broadcast_in_dim3A_25 : vector<1x64xf32> to vector<1024x64xf32>
    %add3A_26 = arith.addf %dot_general3A_22, %add3A : vector<1024x64xf32>
    %broadcast_in_dim3A_27 = arith.constant 0.000000e+00 : f32
    %broadcast_in_dim3A_28 = vector.broadcast %broadcast_in_dim3A_27 : f32 to vector<1024x4xf32>
    %concatenate3A_29 = tpu.concatenate %broadcast_in_dim3A_28, %concatenate3A in 1 : vector<1024x4xf32>, vector<1024x4xf32> -> vector<1024x8xf32>
    %get3A_30 = arith.constant 0 : index
    %get3A_31 = arith.constant 0 : index
    %get3A_32 = vector.load %arg3[%get3A_30, %get3A_31] : memref<8x64xf32, #tpu.memory_space<vmem>>, vector<8x64xf32>
    %dot_general3A_33 = arith.constant dense<0.000000e+00> : vector<1024x64xf32>
    %dot_general3A_34 = tpu.matmul %concatenate3A_29, %get3A_32, %dot_general3A_33 {dimension_numbers = #tpu.dot_dimension_numbers<[1], [0], [0], [1], [0, 0, 1, 1], [], []>, precision = #tpu.contract_precision<fp32>, transpose_lhs_hint = false} : vector<1024x8xf32>, vector<8x64xf32>, vector<1024x64xf32> -> vector<1024x64xf32>
    %iota3A = tpu.iota {dimensions = array<i32: 0>} : vector<1024x1xi32>
    %jit3A = arith.constant 32 : i32
    %div3A = vector.broadcast %jit3A : i32 to vector<1024x1xi32>
    %div3A_35 = arith.divsi %iota3A, %div3A : vector<1024x1xi32>
    %sign3A = arith.constant 0 : i32
    %sign3A_36 = vector.broadcast %sign3A : i32 to vector<1024x1xi32>
    %sign3A_37 = arith.cmpi sgt, %iota3A, %sign3A_36 : vector<1024x1xi32>
    %sign3A_38 = arith.extui %sign3A_37 : vector<1024x1xi1> to vector<1024x1xi32>
    %sign3A_39 = arith.constant 0 : i32
    %sign3A_40 = vector.broadcast %sign3A_39 : i32 to vector<1024x1xi32>
    %sign3A_41 = arith.cmpi slt, %iota3A, %sign3A_40 : vector<1024x1xi32>
    %sign3A_42 = arith.extui %sign3A_41 : vector<1024x1xi1> to vector<1024x1xi32>
    %sign3A_43 = arith.subi %sign3A_38, %sign3A_42 : vector<1024x1xi32>
    %sign3A_44 = arith.constant 0 : i32
    %sign3A_45 = arith.cmpi sgt, %jit3A, %sign3A_44 : i32
    %sign3A_46 = arith.extui %sign3A_45 : i1 to i32
    %sign3A_47 = arith.constant 0 : i32
    %sign3A_48 = arith.cmpi slt, %jit3A, %sign3A_47 : i32
    %sign3A_49 = arith.extui %sign3A_48 : i1 to i32
    %sign3A_50 = arith.subi %sign3A_46, %sign3A_49 : i32
    %ne3A = vector.broadcast %sign3A_50 : i32 to vector<1024x1xi32>
    %ne3A_51 = arith.cmpi ne, %sign3A_43, %ne3A : vector<1024x1xi32>
    %rem3A = vector.broadcast %jit3A : i32 to vector<1024x1xi32>
    %rem3A_52 = arith.remsi %iota3A, %rem3A : vector<1024x1xi32>
    %ne3A_53 = arith.constant 0 : i32
    %ne3A_54 = vector.broadcast %ne3A_53 : i32 to vector<1024x1xi32>
    %ne3A_55 = arith.cmpi ne, %rem3A_52, %ne3A_54 : vector<1024x1xi32>
    %and3A = arith.andi %ne3A_51, %ne3A_55 : vector<1024x1xi1>
    %sub3A_56 = arith.constant 1 : i32
    %sub3A_57 = vector.broadcast %sub3A_56 : i32 to vector<1024x1xi32>
    %sub3A_58 = arith.subi %div3A_35, %sub3A_57 : vector<1024x1xi32>
    %select_n3A = arith.select %and3A, %sub3A_58, %div3A_35 : vector<1024x1xi1>, vector<1024x1xi32>
    %convert_element_type3A = arith.sitofp %select_n3A : vector<1024x1xi32> to vector<1024x1xf32>
    %jit3A_59 = arith.constant 32 : i32
    %eq3A = arith.constant 0 : i32
    %eq3A_60 = arith.cmpi eq, %jit3A_59, %eq3A : i32
    %jit3A_61 = arith.constant 1 : i32
    %select_n3A_62 = arith.select %eq3A_60, %jit3A_61, %jit3A_59 : i32
    %rem3A_63 = vector.broadcast %select_n3A_62 : i32 to vector<1024x1xi32>
    %rem3A_64 = arith.remsi %iota3A, %rem3A_63 : vector<1024x1xi32>
    %ne3A_65 = arith.constant 0 : i32
    %ne3A_66 = vector.broadcast %ne3A_65 : i32 to vector<1024x1xi32>
    %ne3A_67 = arith.cmpi ne, %rem3A_64, %ne3A_66 : vector<1024x1xi32>
    %lt3A = arith.constant 0 : i32
    %lt3A_68 = vector.broadcast %lt3A : i32 to vector<1024x1xi32>
    %lt3A_69 = arith.cmpi slt, %rem3A_64, %lt3A_68 : vector<1024x1xi32>
    %lt3A_70 = arith.constant 0 : i32
    %lt3A_71 = arith.cmpi slt, %select_n3A_62, %lt3A_70 : i32
    %ne3A_72 = vector.broadcast %lt3A_71 : i1 to vector<1024x1xi1>
    %ne3A_73 = vector.broadcast %ne3A_72 : vector<1024x1xi1> to vector<1024x1xi1>
    %ne3A_74 = arith.xori %lt3A_69, %ne3A_73 : vector<1024x1xi1>
    %and3A_75 = arith.andi %ne3A_74, %ne3A_67 : vector<1024x1xi1>
    %add3A_76 = vector.broadcast %select_n3A_62 : i32 to vector<1024x1xi32>
    %add3A_77 = arith.addi %rem3A_64, %add3A_76 : vector<1024x1xi32>
    %select_n3A_78 = arith.select %and3A_75, %add3A_77, %rem3A_64 : vector<1024x1xi1>, vector<1024x1xi32>
    %convert_element_type3A_79 = arith.sitofp %select_n3A_78 : vector<1024x1xi32> to vector<1024x1xf32>
    %concatenate3A_80 = tpu.concatenate %dot_general3A_34, %convert_element_type3A, %convert_element_type3A_79 in 1 : vector<1024x64xf32>, vector<1024x1xf32>, vector<1024x1xf32> -> vector<1024x66xf32>
    %convert_element_type3A_81 = arith.truncf %concatenate3A_80 : vector<1024x66xf32> to vector<1024x66xbf16>
    %get3A_82 = arith.constant 0 : index
    %get3A_83 = arith.constant 0 : index
    %get3A_84 = vector.load %arg7[%get3A_82, %get3A_83] : memref<64x64xf32, #tpu.memory_space<vmem>>, vector<64x64xf32>
    %convert_element_type3A_85 = arith.truncf %get3A_84 : vector<64x64xf32> to vector<64x64xbf16>
    %get3A_86 = arith.constant 0 : index
    %get3A_87 = arith.constant 0 : index
    %get3A_88 = vector.load %arg11[%get3A_86, %get3A_87] : memref<64x64xf32, #tpu.memory_space<vmem>>, vector<64x64xf32>
    %convert_element_type3A_89 = arith.truncf %get3A_88 : vector<64x64xf32> to vector<64x64xbf16>
    %get3A_90 = arith.constant 0 : index
    %get3A_91 = arith.constant 0 : index
    %get3A_92 = vector.load %arg17[%get3A_90, %get3A_91] : memref<1024x1024xf32, #tpu.memory_space<vmem>>, vector<1024x1024xf32>
    %reduce_min3A = arith.constant dense<0x7F800000> : vector<1024xf32>
    %reduce_min3A_93 = vector.multi_reduction <minimumf>, %get3A_92, %reduce_min3A [0] : vector<1024x1024xf32> to vector<1024xf32>
    %broadcast_in_dim3A_94 = vector.shape_cast %reduce_min3A_93 : vector<1024xf32> to vector<1x1024xf32>
    %broadcast_in_dim3A_95 = arith.constant 0xFF800000 : f32
    %broadcast_in_dim3A_96 = vector.broadcast %broadcast_in_dim3A_95 : f32 to vector<1024x64xf32>
    %broadcast_in_dim3A_97 = arith.constant 0 : i32
    %broadcast_in_dim3A_98 = vector.broadcast %broadcast_in_dim3A_97 : i32 to vector<1024x16xi32>
    %scan3A = arith.constant 0 : i32
    %scan3A_99 = arith.constant 16 : i32
    %scan3A_100 = arith.addi %scan3A, %scan3A_99 : i32
    %scan3A_101 = arith.constant 1 : i32
    %scan3A_102:3 = scf.for %scan3A_110 = %scan3A to %scan3A_100 step %scan3A_101 iter_args(%scan3A_111 = %broadcast_in_dim3A_94, %scan3A_112 = %broadcast_in_dim3A_96, %scan3A_113 = %broadcast_in_dim3A_98) -> (vector<1x1024xf32>, vector<1024x64xf32>, vector<1024x16xi32>)  : i32 {
      %get3A_114 = arith.constant 0 : index
      %get3A_115 = arith.constant 0 : index
      %get3A_116 = vector.load %arg17[%get3A_114, %get3A_115] : memref<1024x1024xf32, #tpu.memory_space<vmem>>, vector<1024x1024xf32>
      %eq3A_117 = vector.broadcast %scan3A_111 : vector<1x1024xf32> to vector<1024x1024xf32>
      %eq3A_118 = arith.cmpf oeq, %get3A_116, %eq3A_117 : vector<1024x1024xf32>
      %gt3A = vector.broadcast %scan3A_111 : vector<1x1024xf32> to vector<1024x1024xf32>
      %gt3A_119 = arith.cmpf ogt, %get3A_116, %gt3A : vector<1024x1024xf32>
      %jit3A_120 = arith.constant 0x7F800000 : f32
      %broadcast_in_dim3A_121 = vector.broadcast %jit3A_120 : f32 to vector<1024x1024xf32>
      %select_n3A_122 = arith.select %gt3A_119, %get3A_116, %broadcast_in_dim3A_121 : vector<1024x1024xi1>, vector<1024x1024xf32>
      %reduce_min3A_123 = arith.constant dense<0x7F800000> : vector<1024xf32>
      %reduce_min3A_124 = vector.multi_reduction <minimumf>, %select_n3A_122, %reduce_min3A_123 [0] : vector<1024x1024xf32> to vector<1024xf32>
      %broadcast_in_dim3A_125 = vector.shape_cast %reduce_min3A_124 : vector<1024xf32> to vector<1x1024xf32>
      %convert_element_type3A_126 = arith.extui %eq3A_118 : vector<1024x1024xi1> to vector<1024x1024xi32>
      %convert_element_type3A_127 = arith.sitofp %convert_element_type3A_126 : vector<1024x1024xi32> to vector<1024x1024xf32>
      %convert_element_type3A_128 = arith.truncf %convert_element_type3A_127 : vector<1024x1024xf32> to vector<1024x1024xbf16>
      %dot_general3A_129 = arith.constant dense<0.000000e+00> : vector<1024x66xf32>
      %dot_general3A_130 = tpu.matmul %convert_element_type3A_128, %convert_element_type3A_81, %dot_general3A_129 {dimension_numbers = #tpu.dot_dimension_numbers<[0], [0], [1], [1], [0, 1, 1, 1], [], []>, transpose_lhs_hint = false} : vector<1024x1024xbf16>, vector<1024x66xbf16>, vector<1024x66xf32> -> vector<1024x66xf32>
      %slice3A = vector.extract_strided_slice %dot_general3A_130 {offsets = [0, 0], sizes = [1024, 64], strides = [1, 1]} : vector<1024x66xf32> to vector<1024x64xf32>
      %slice3A_131 = vector.extract_strided_slice %dot_general3A_130 {offsets = [0, 64], sizes = [1024, 1], strides = [1, 1]} : vector<1024x66xf32> to vector<1024x1xf32>
      %mul3A_132 = arith.constant 3.200000e+01 : f32
      %mul3A_133 = vector.broadcast %mul3A_132 : f32 to vector<1024x1xf32>
      %mul3A_134 = arith.mulf %slice3A_131, %mul3A_133 : vector<1024x1xf32>
      %slice3A_135 = vector.extract_strided_slice %dot_general3A_130 {offsets = [0, 65], sizes = [1024, 1], strides = [1, 1]} : vector<1024x66xf32> to vector<1024x1xf32>
      %add3A_136 = arith.addf %mul3A_134, %slice3A_135 : vector<1024x1xf32>
      %jit3A_137 = arith.constant 0.000000e+00 : f32
      %jit3A_138 = arith.constant 1.023000e+03 : f32
      %max3A = vector.broadcast %jit3A_137 : f32 to vector<1024x1xf32>
      %max3A_139 = arith.maximumf %max3A, %add3A_136 : vector<1024x1xf32>
      %min3A = vector.broadcast %jit3A_138 : f32 to vector<1024x1xf32>
      %min3A_140 = arith.minimumf %min3A, %max3A_139 : vector<1024x1xf32>
      %convert_element_type3A_141 = arith.fptosi %min3A_140 : vector<1024x1xf32> to vector<1024x1xi32>
      %add3A_142 = vector.broadcast %mul3A_14 : i32 to vector<1024x1xi32>
      %add3A_143 = arith.addi %convert_element_type3A_141, %add3A_142 : vector<1024x1xi32>
      %iota3A_144 = tpu.iota {dimensions = array<i32: 1>} : vector<1x16xi32>
      %eq3A_145 = vector.broadcast %scan3A_110 : i32 to vector<1x16xi32>
      %eq3A_146 = arith.cmpi eq, %iota3A_144, %eq3A_145 : vector<1x16xi32>
      %broadcast_in_dim3A_147 = vector.shape_cast %eq3A_146 : vector<1x16xi1> to vector<1x16xi1>
      %broadcast_in_dim3A_148 = vector.broadcast %broadcast_in_dim3A_147 : vector<1x16xi1> to vector<1024x16xi1>
      %broadcast_in_dim3A_149 = vector.shape_cast %add3A_143 : vector<1024x1xi32> to vector<1024x1xi32>
      %broadcast_in_dim3A_150 = vector.broadcast %broadcast_in_dim3A_149 : vector<1024x1xi32> to vector<1024x16xi32>
      %select_n3A_151 = arith.select %broadcast_in_dim3A_148, %broadcast_in_dim3A_150, %scan3A_113 : vector<1024x16xi1>, vector<1024x16xi32>
      %add3A_152 = arith.addf %add3A_26, %slice3A : vector<1024x64xf32>
      %max3A_153 = arith.constant 0.000000e+00 : f32
      %max3A_154 = vector.broadcast %max3A_153 : f32 to vector<1024x64xf32>
      %max3A_155 = arith.maximumf %add3A_152, %max3A_154 : vector<1024x64xf32>
      %get3A_156 = arith.constant 0 : index
      %get3A_157 = vector.load %arg5[%get3A_156] : memref<64xf32, #tpu.memory_space<vmem>>, vector<64xf32>
      %broadcast_in_dim3A_158 = vector.shape_cast %get3A_157 : vector<64xf32> to vector<1x64xf32>
      %mul3A_159 = vector.broadcast %broadcast_in_dim3A_158 : vector<1x64xf32> to vector<1024x64xf32>
      %mul3A_160 = arith.mulf %max3A_155, %mul3A_159 : vector<1024x64xf32>
      %get3A_161 = arith.constant 0 : index
      %get3A_162 = vector.load %arg6[%get3A_161] : memref<64xf32, #tpu.memory_space<vmem>>, vector<64xf32>
      %broadcast_in_dim3A_163 = vector.shape_cast %get3A_162 : vector<64xf32> to vector<1x64xf32>
      %add3A_164 = vector.broadcast %broadcast_in_dim3A_163 : vector<1x64xf32> to vector<1024x64xf32>
      %add3A_165 = arith.addf %mul3A_160, %add3A_164 : vector<1024x64xf32>
      %convert_element_type3A_166 = arith.truncf %add3A_165 : vector<1024x64xf32> to vector<1024x64xbf16>
      %dot_general3A_167 = arith.constant dense<0.000000e+00> : vector<1024x64xf32>
      %dot_general3A_168 = tpu.matmul %convert_element_type3A_166, %convert_element_type3A_85, %dot_general3A_167 {dimension_numbers = #tpu.dot_dimension_numbers<[1], [0], [0], [1], [0, 0, 1, 1], [], []>, transpose_lhs_hint = false} : vector<1024x64xbf16>, vector<64x64xbf16>, vector<1024x64xf32> -> vector<1024x64xf32>
      %get3A_169 = arith.constant 0 : index
      %get3A_170 = vector.load %arg8[%get3A_169] : memref<64xf32, #tpu.memory_space<vmem>>, vector<64xf32>
      %broadcast_in_dim3A_171 = vector.shape_cast %get3A_170 : vector<64xf32> to vector<1x64xf32>
      %add3A_172 = vector.broadcast %broadcast_in_dim3A_171 : vector<1x64xf32> to vector<1024x64xf32>
      %add3A_173 = arith.addf %dot_general3A_168, %add3A_172 : vector<1024x64xf32>
      %max3A_174 = arith.constant 0.000000e+00 : f32
      %max3A_175 = vector.broadcast %max3A_174 : f32 to vector<1024x64xf32>
      %max3A_176 = arith.maximumf %add3A_173, %max3A_175 : vector<1024x64xf32>
      %get3A_177 = arith.constant 0 : index
      %get3A_178 = vector.load %arg9[%get3A_177] : memref<64xf32, #tpu.memory_space<vmem>>, vector<64xf32>
      %broadcast_in_dim3A_179 = vector.shape_cast %get3A_178 : vector<64xf32> to vector<1x64xf32>
      %mul3A_180 = vector.broadcast %broadcast_in_dim3A_179 : vector<1x64xf32> to vector<1024x64xf32>
      %mul3A_181 = arith.mulf %max3A_176, %mul3A_180 : vector<1024x64xf32>
      %get3A_182 = arith.constant 0 : index
      %get3A_183 = vector.load %arg10[%get3A_182] : memref<64xf32, #tpu.memory_space<vmem>>, vector<64xf32>
      %broadcast_in_dim3A_184 = vector.shape_cast %get3A_183 : vector<64xf32> to vector<1x64xf32>
      %add3A_185 = vector.broadcast %broadcast_in_dim3A_184 : vector<1x64xf32> to vector<1024x64xf32>
      %add3A_186 = arith.addf %mul3A_181, %add3A_185 : vector<1024x64xf32>
      %convert_element_type3A_187 = arith.truncf %add3A_186 : vector<1024x64xf32> to vector<1024x64xbf16>
      %dot_general3A_188 = arith.constant dense<0.000000e+00> : vector<1024x64xf32>
      %dot_general3A_189 = tpu.matmul %convert_element_type3A_187, %convert_element_type3A_89, %dot_general3A_188 {dimension_numbers = #tpu.dot_dimension_numbers<[1], [0], [0], [1], [0, 0, 1, 1], [], []>, transpose_lhs_hint = false} : vector<1024x64xbf16>, vector<64x64xbf16>, vector<1024x64xf32> -> vector<1024x64xf32>
      %get3A_190 = arith.constant 0 : index
      %get3A_191 = vector.load %arg12[%get3A_190] : memref<64xf32, #tpu.memory_space<vmem>>, vector<64xf32>
      %broadcast_in_dim3A_192 = vector.shape_cast %get3A_191 : vector<64xf32> to vector<1x64xf32>
      %add3A_193 = vector.broadcast %broadcast_in_dim3A_192 : vector<1x64xf32> to vector<1024x64xf32>
      %add3A_194 = arith.addf %dot_general3A_189, %add3A_193 : vector<1024x64xf32>
      %max3A_195 = arith.constant 0.000000e+00 : f32
      %max3A_196 = vector.broadcast %max3A_195 : f32 to vector<1024x64xf32>
      %max3A_197 = arith.maximumf %add3A_194, %max3A_196 : vector<1024x64xf32>
      %get3A_198 = arith.constant 0 : index
      %get3A_199 = vector.load %arg13[%get3A_198] : memref<64xf32, #tpu.memory_space<vmem>>, vector<64xf32>
      %broadcast_in_dim3A_200 = vector.shape_cast %get3A_199 : vector<64xf32> to vector<1x64xf32>
      %mul3A_201 = vector.broadcast %broadcast_in_dim3A_200 : vector<1x64xf32> to vector<1024x64xf32>
      %mul3A_202 = arith.mulf %max3A_197, %mul3A_201 : vector<1024x64xf32>
      %get3A_203 = arith.constant 0 : index
      %get3A_204 = vector.load %arg14[%get3A_203] : memref<64xf32, #tpu.memory_space<vmem>>, vector<64xf32>
      %broadcast_in_dim3A_205 = vector.shape_cast %get3A_204 : vector<64xf32> to vector<1x64xf32>
      %add3A_206 = vector.broadcast %broadcast_in_dim3A_205 : vector<1x64xf32> to vector<1024x64xf32>
      %add3A_207 = arith.addf %mul3A_202, %add3A_206 : vector<1024x64xf32>
      %max3A_208 = arith.maximumf %scan3A_112, %add3A_207 : vector<1024x64xf32>
      scf.yield %broadcast_in_dim3A_125, %max3A_208, %select_n3A_151 : vector<1x1024xf32>, vector<1024x64xf32>, vector<1024x16xi32>
    }
    %scan3A_103 = arith.constant 16 : i32
    %swap3A_104 = arith.constant 0 : index
    %swap3A_105 = arith.constant 0 : index
    %swap3A_106 = vector.load %arg15[%swap3A_104, %swap3A_105] : memref<1024x64xf32, #tpu.memory_space<vmem>>, vector<1024x64xf32>
    tpu.vector_store %arg15[%swap3A_104, %swap3A_105], %scan3A_102#1 {strides = array<i32>} : memref<1024x64xf32, #tpu.memory_space<vmem>>, vector<1024x64xf32>,
    %swap3A_107 = arith.constant 0 : index
    %swap3A_108 = arith.constant 0 : index
    %swap3A_109 = vector.load %arg16[%swap3A_107, %swap3A_108] : memref<1024x16xi32, #tpu.memory_space<vmem>>, vector<1024x16xi32>
    tpu.vector_store %arg16[%swap3A_107, %swap3A_108], %scan3A_102#2 {strides = array<i32>} : memref<1024x16xi32, #tpu.memory_space<vmem>>, vector<1024x16xi32>,
    return
  }
  func.func @transform_0(%arg0: i32) -> (i32, i32) {
    %c0_i32 = arith.constant 0 : i32
    %c0_i32_0 = arith.constant 0 : i32
    return %arg0, %c0_i32 : i32, i32
  }
  func.func @transform_1(%arg0: i32) -> (i32, i32) {
    %c0_i32 = arith.constant 0 : i32
    %c0_i32_0 = arith.constant 0 : i32
    return %arg0, %c0_i32 : i32, i32
  }
  func.func @transform_2(%arg0: i32) -> (i32, i32) {
    %c0_i32 = arith.constant 0 : i32
    %c0_i32_0 = arith.constant 0 : i32
    %c0_i32_1 = arith.constant 0 : i32
    return %c0_i32, %c0_i32_0 : i32, i32
  }
  func.func @transform_3(%arg0: i32) -> i32 {
    %c0_i32 = arith.constant 0 : i32
    %c0_i32_0 = arith.constant 0 : i32
    return %c0_i32 : i32
  }
  func.func @transform_4(%arg0: i32) -> i32 {
    %c0_i32 = arith.constant 0 : i32
    %c0_i32_0 = arith.constant 0 : i32
    return %c0_i32 : i32
  }
  func.func @transform_5(%arg0: i32) -> i32 {
    %c0_i32 = arith.constant 0 : i32
    %c0_i32_0 = arith.constant 0 : i32
    return %c0_i32 : i32
  }
  func.func @transform_6(%arg0: i32) -> (i32, i32) {
    %c0_i32 = arith.constant 0 : i32
    %c0_i32_0 = arith.constant 0 : i32
    %c0_i32_1 = arith.constant 0 : i32
    return %c0_i32, %c0_i32_0 : i32, i32
  }
  func.func @transform_7(%arg0: i32) -> i32 {
    %c0_i32 = arith.constant 0 : i32
    %c0_i32_0 = arith.constant 0 : i32
    return %c0_i32 : i32
  }
  func.func @transform_8(%arg0: i32) -> i32 {
    %c0_i32 = arith.constant 0 : i32
    %c0_i32_0 = arith.constant 0 : i32
    return %c0_i32 : i32
  }
  func.func @transform_9(%arg0: i32) -> i32 {
    %c0_i32 = arith.constant 0 : i32
    %c0_i32_0 = arith.constant 0 : i32
    return %c0_i32 : i32
  }
  func.func @transform_10(%arg0: i32) -> (i32, i32) {
    %c0_i32 = arith.constant 0 : i32
    %c0_i32_0 = arith.constant 0 : i32
    %c0_i32_1 = arith.constant 0 : i32
    return %c0_i32, %c0_i32_0 : i32, i32
  }
  func.func @transform_11(%arg0: i32) -> i32 {
    %c0_i32 = arith.constant 0 : i32
    %c0_i32_0 = arith.constant 0 : i32
    return %c0_i32 : i32
  }
  func.func @transform_12(%arg0: i32) -> i32 {
    %c0_i32 = arith.constant 0 : i32
    %c0_i32_0 = arith.constant 0 : i32
    return %c0_i32 : i32
  }
  func.func @transform_13(%arg0: i32) -> i32 {
    %c0_i32 = arith.constant 0 : i32
    %c0_i32_0 = arith.constant 0 : i32
    return %c0_i32 : i32
  }
  func.func @transform_14(%arg0: i32) -> (i32, i32) {
    %c0_i32 = arith.constant 0 : i32
    %c0_i32_0 = arith.constant 0 : i32
    return %arg0, %c0_i32 : i32, i32
  }
  func.func @transform_15(%arg0: i32) -> (i32, i32) {
    %c0_i32 = arith.constant 0 : i32
    %c0_i32_0 = arith.constant 0 : i32
    return %arg0, %c0_i32 : i32, i32
  }
}

module attributes {stable_mosaic.version = 14 : i64} {
  func.func @_conv2_kernel(%arg0: i32, %arg1: memref<1024x64xf32, #tpu.memory_space<vmem>>, %arg2: memref<16x1x1024x64xf32, #tpu.memory_space<vmem>>, %arg3: memref<128x128xf32, #tpu.memory_space<vmem>>, %arg4: memref<128xf32, #tpu.memory_space<vmem>>, %arg5: memref<128xf32, #tpu.memory_space<vmem>>, %arg6: memref<128xf32, #tpu.memory_space<vmem>>, %arg7: memref<192x1024xf32, #tpu.memory_space<vmem>>, %arg8: memref<1024xf32, #tpu.memory_space<vmem>>, %arg9: memref<1x1x1024xf32, #tpu.memory_space<vmem>>) attributes {dimension_semantics = [#tpu.dimension_semantics<arbitrary>], iteration_bounds = array<i64: 16>, scalar_prefetch = 0 : i64, scratch_operands = 0 : i64, tpu.core_type = #tpu.core_type<tc>, window_params = [{transform_indices = @transform_0, window_bounds = array<i64: 1024, 64>}, {transform_indices = @transform_1, window_bounds = array<i64: 16, 1, 1024, 64>}, {pipeline_mode = #tpu.pipeline_mode<synchronous>, transform_indices = @transform_2, window_bounds = array<i64: 128, 128>}, {pipeline_mode = #tpu.pipeline_mode<synchronous>, transform_indices = @transform_3, window_bounds = array<i64: 128>}, {pipeline_mode = #tpu.pipeline_mode<synchronous>, transform_indices = @transform_4, window_bounds = array<i64: 128>}, {pipeline_mode = #tpu.pipeline_mode<synchronous>, transform_indices = @transform_5, window_bounds = array<i64: 128>}, {pipeline_mode = #tpu.pipeline_mode<synchronous>, transform_indices = @transform_6, window_bounds = array<i64: 192, 1024>}, {pipeline_mode = #tpu.pipeline_mode<synchronous>, transform_indices = @transform_7, window_bounds = array<i64: 1024>}, {transform_indices = @transform_8, window_bounds = array<i64: 1, 1, 1024>}]} {
    %get3A = arith.constant 0 : index
    %get3A_0 = arith.constant 0 : index
    %get3A_1 = vector.load %arg1[%get3A, %get3A_0] : memref<1024x64xf32, #tpu.memory_space<vmem>>, vector<1024x64xf32>
    %get3A_2 = arith.constant 0 : index
    %get3A_3 = arith.constant 0 : index
    %get3A_4 = vector.load %arg3[%get3A_2, %get3A_3] : memref<128x128xf32, #tpu.memory_space<vmem>>, vector<64x128xf32>
    %get3A_5 = arith.constant 64 : index
    %get3A_6 = arith.constant 0 : index
    %get3A_7 = vector.load %arg3[%get3A_5, %get3A_6] : memref<128x128xf32, #tpu.memory_space<vmem>>, vector<64x128xf32>
    %sub3A = arith.subf %get3A_4, %get3A_7 : vector<64x128xf32>
    %dot_general3A = arith.constant dense<0.000000e+00> : vector<1024x128xf32>
    %dot_general3A_8 = tpu.matmul %get3A_1, %sub3A, %dot_general3A {dimension_numbers = #tpu.dot_dimension_numbers<[1], [0], [0], [1], [0, 0, 1, 1], [], []>, precision = #tpu.contract_precision<fp32>, transpose_lhs_hint = false} : vector<1024x64xf32>, vector<64x128xf32>, vector<1024x128xf32> -> vector<1024x128xf32>
    %get3A_9 = arith.constant 0 : index
    %get3A_10 = vector.load %arg4[%get3A_9] : memref<128xf32, #tpu.memory_space<vmem>>, vector<128xf32>
    %broadcast_in_dim3A = vector.shape_cast %get3A_10 : vector<128xf32> to vector<1x128xf32>
    %add3A = vector.broadcast %broadcast_in_dim3A : vector<1x128xf32> to vector<1024x128xf32>
    %add3A_11 = arith.addf %dot_general3A_8, %add3A : vector<1024x128xf32>
    %convert_element_type3A = arith.truncf %get3A_7 : vector<64x128xf32> to vector<64x128xbf16>
    %broadcast_in_dim3A_12 = arith.constant 0xFF800000 : f32
    %broadcast_in_dim3A_13 = vector.broadcast %broadcast_in_dim3A_12 : f32 to vector<1024x128xf32>
    %scan3A = arith.constant 0 : i32
    %scan3A_14 = arith.constant 16 : i32
    %scan3A_15 = arith.addi %scan3A, %scan3A_14 : i32
    %scan3A_16 = arith.constant 1 : i32
    %scan3A_17 = scf.for %scan3A_38 = %scan3A to %scan3A_15 step %scan3A_16 iter_args(%scan3A_39 = %broadcast_in_dim3A_13) -> (vector<1024x128xf32>)  : i32 {
      %get3A_40 = arith.index_cast %scan3A_38 : i32 to index
      %get3A_41 = arith.constant 0 : index
      %get3A_42 = arith.constant 0 : index
      %get3A_43 = arith.constant 0 : index
      %get3A_44 = vector.load %arg2[%get3A_40, %get3A_41, %get3A_42, %get3A_43] : memref<16x1x1024x64xf32, #tpu.memory_space<vmem>>, vector<1x1x1024x64xf32>
      %get3A_45 = vector.shape_cast %get3A_44 : vector<1x1x1024x64xf32> to vector<1024x64xf32>
      %convert_element_type3A_46 = arith.truncf %get3A_45 : vector<1024x64xf32> to vector<1024x64xbf16>
      %dot_general3A_47 = arith.constant dense<0.000000e+00> : vector<1024x128xf32>
      %dot_general3A_48 = tpu.matmul %convert_element_type3A_46, %convert_element_type3A, %dot_general3A_47 {dimension_numbers = #tpu.dot_dimension_numbers<[1], [0], [0], [1], [0, 0, 1, 1], [], []>, transpose_lhs_hint = false} : vector<1024x64xbf16>, vector<64x128xbf16>, vector<1024x128xf32> -> vector<1024x128xf32>
      %add3A_49 = arith.addf %add3A_11, %dot_general3A_48 : vector<1024x128xf32>
      %max3A = arith.constant 0.000000e+00 : f32
      %max3A_50 = vector.broadcast %max3A : f32 to vector<1024x128xf32>
      %max3A_51 = arith.maximumf %add3A_49, %max3A_50 : vector<1024x128xf32>
      %get3A_52 = arith.constant 0 : index
      %get3A_53 = vector.load %arg5[%get3A_52] : memref<128xf32, #tpu.memory_space<vmem>>, vector<128xf32>
      %broadcast_in_dim3A_54 = vector.shape_cast %get3A_53 : vector<128xf32> to vector<1x128xf32>
      %mul3A = vector.broadcast %broadcast_in_dim3A_54 : vector<1x128xf32> to vector<1024x128xf32>
      %mul3A_55 = arith.mulf %max3A_51, %mul3A : vector<1024x128xf32>
      %get3A_56 = arith.constant 0 : index
      %get3A_57 = vector.load %arg6[%get3A_56] : memref<128xf32, #tpu.memory_space<vmem>>, vector<128xf32>
      %broadcast_in_dim3A_58 = vector.shape_cast %get3A_57 : vector<128xf32> to vector<1x128xf32>
      %add3A_59 = vector.broadcast %broadcast_in_dim3A_58 : vector<1x128xf32> to vector<1024x128xf32>
      %add3A_60 = arith.addf %mul3A_55, %add3A_59 : vector<1024x128xf32>
      %max3A_61 = arith.maximumf %scan3A_39, %add3A_60 : vector<1024x128xf32>
      scf.yield %max3A_61 : vector<1024x128xf32>
    }
    %scan3A_18 = arith.constant 16 : i32
    %concatenate3A = tpu.concatenate %get3A_1, %scan3A_17 in 1 : vector<1024x64xf32>, vector<1024x128xf32> -> vector<1024x192xf32>
    %convert_element_type3A_19 = arith.truncf %concatenate3A : vector<1024x192xf32> to vector<1024x192xbf16>
    %get3A_20 = arith.constant 0 : index
    %get3A_21 = arith.constant 0 : index
    %get3A_22 = vector.load %arg7[%get3A_20, %get3A_21] : memref<192x1024xf32, #tpu.memory_space<vmem>>, vector<192x1024xf32>
    %convert_element_type3A_23 = arith.truncf %get3A_22 : vector<192x1024xf32> to vector<192x1024xbf16>
    %dot_general3A_24 = arith.constant dense<0.000000e+00> : vector<1024x1024xf32>
    %dot_general3A_25 = tpu.matmul %convert_element_type3A_19, %convert_element_type3A_23, %dot_general3A_24 {dimension_numbers = #tpu.dot_dimension_numbers<[1], [0], [0], [1], [0, 0, 1, 1], [], []>, transpose_lhs_hint = false} : vector<1024x192xbf16>, vector<192x1024xbf16>, vector<1024x1024xf32> -> vector<1024x1024xf32>
    %get3A_26 = arith.constant 0 : index
    %get3A_27 = vector.load %arg8[%get3A_26] : memref<1024xf32, #tpu.memory_space<vmem>>, vector<1024xf32>
    %broadcast_in_dim3A_28 = vector.shape_cast %get3A_27 : vector<1024xf32> to vector<1x1024xf32>
    %add3A_29 = vector.broadcast %broadcast_in_dim3A_28 : vector<1x1024xf32> to vector<1024x1024xf32>
    %add3A_30 = arith.addf %dot_general3A_25, %add3A_29 : vector<1024x1024xf32>
    %reduce_max3A = arith.constant dense<0xFF800000> : vector<1024xf32>
    %reduce_max3A_31 = vector.multi_reduction <maximumf>, %add3A_30, %reduce_max3A [0] : vector<1024x1024xf32> to vector<1024xf32>
    %broadcast_in_dim3A_32 = vector.shape_cast %reduce_max3A_31 : vector<1024xf32> to vector<1x1024xf32>
    %swap3A = arith.constant 0 : index
    %swap3A_33 = arith.constant 0 : index
    %swap3A_34 = arith.constant 0 : index
    %swap3A_35 = vector.load %arg9[%swap3A, %swap3A_33, %swap3A_34] : memref<1x1x1024xf32, #tpu.memory_space<vmem>>, vector<1x1x1024xf32>
    %swap3A_36 = vector.shape_cast %swap3A_35 : vector<1x1x1024xf32> to vector<1x1024xf32>
    %swap3A_37 = vector.shape_cast %broadcast_in_dim3A_32 : vector<1x1024xf32> to vector<1x1x1024xf32>
    tpu.vector_store %arg9[%swap3A, %swap3A_33, %swap3A_34], %swap3A_37 {strides = array<i32>} : memref<1x1x1024xf32, #tpu.memory_space<vmem>>, vector<1x1x1024xf32>,
    return
  }
  func.func @transform_0(%arg0: i32) -> (i32, i32) {
    %c0_i32 = arith.constant 0 : i32
    %c0_i32_0 = arith.constant 0 : i32
    return %arg0, %c0_i32 : i32, i32
  }
  func.func @transform_1(%arg0: i32) -> (i32, i32, i32, i32) {
    %c0_i32 = arith.constant 0 : i32
    %c0_i32_0 = arith.constant 0 : i32
    %c0_i32_1 = arith.constant 0 : i32
    %c0_i32_2 = arith.constant 0 : i32
    return %c0_i32, %arg0, %c0_i32_0, %c0_i32_1 : i32, i32, i32, i32
  }
  func.func @transform_2(%arg0: i32) -> (i32, i32) {
    %c0_i32 = arith.constant 0 : i32
    %c0_i32_0 = arith.constant 0 : i32
    %c0_i32_1 = arith.constant 0 : i32
    return %c0_i32, %c0_i32_0 : i32, i32
  }
  func.func @transform_3(%arg0: i32) -> i32 {
    %c0_i32 = arith.constant 0 : i32
    %c0_i32_0 = arith.constant 0 : i32
    return %c0_i32 : i32
  }
  func.func @transform_4(%arg0: i32) -> i32 {
    %c0_i32 = arith.constant 0 : i32
    %c0_i32_0 = arith.constant 0 : i32
    return %c0_i32 : i32
  }
  func.func @transform_5(%arg0: i32) -> i32 {
    %c0_i32 = arith.constant 0 : i32
    %c0_i32_0 = arith.constant 0 : i32
    return %c0_i32 : i32
  }
  func.func @transform_6(%arg0: i32) -> (i32, i32) {
    %c0_i32 = arith.constant 0 : i32
    %c0_i32_0 = arith.constant 0 : i32
    %c0_i32_1 = arith.constant 0 : i32
    return %c0_i32, %c0_i32_0 : i32, i32
  }
  func.func @transform_7(%arg0: i32) -> i32 {
    %c0_i32 = arith.constant 0 : i32
    %c0_i32_0 = arith.constant 0 : i32
    return %c0_i32 : i32
  }
  func.func @transform_8(%arg0: i32) -> (i32, i32, i32) {
    %c0_i32 = arith.constant 0 : i32
    %c0_i32_0 = arith.constant 0 : i32
    %c0_i32_1 = arith.constant 0 : i32
    return %arg0, %c0_i32, %c0_i32_0 : i32, i32, i32
  }
}

module attributes {stable_mosaic.version = 14 : i64} {
  func.func @_head_kernel(%arg0: memref<32x1024xf32, #tpu.memory_space<vmem>>, %arg1: memref<1024x512xf32, #tpu.memory_space<vmem>>, %arg2: memref<512xf32, #tpu.memory_space<vmem>>, %arg3: memref<512x256xf32, #tpu.memory_space<vmem>>, %arg4: memref<256xf32, #tpu.memory_space<vmem>>, %arg5: memref<256x40xf32, #tpu.memory_space<vmem>>, %arg6: memref<40xf32, #tpu.memory_space<vmem>>, %arg7: memref<32x40xf32, #tpu.memory_space<vmem>>) attributes {dimension_semantics = [], scalar_prefetch = 0 : i64, scratch_operands = 0 : i64, tpu.core_type = #tpu.core_type<tc>} {
    %get3A = arith.constant 0 : index
    %get3A_0 = arith.constant 0 : index
    %get3A_1 = vector.load %arg0[%get3A, %get3A_0] : memref<32x1024xf32, #tpu.memory_space<vmem>>, vector<32x1024xf32>
    %get3A_2 = arith.constant 0 : index
    %get3A_3 = arith.constant 0 : index
    %get3A_4 = vector.load %arg1[%get3A_2, %get3A_3] : memref<1024x512xf32, #tpu.memory_space<vmem>>, vector<1024x512xf32>
    %dot_general3A = arith.constant dense<0.000000e+00> : vector<32x512xf32>
    %dot_general3A_5 = tpu.matmul %get3A_1, %get3A_4, %dot_general3A {dimension_numbers = #tpu.dot_dimension_numbers<[1], [0], [0], [1], [0, 0, 1, 1], [], []>, precision = #tpu.contract_precision<fp32>, transpose_lhs_hint = false} : vector<32x1024xf32>, vector<1024x512xf32>, vector<32x512xf32> -> vector<32x512xf32>
    %get3A_6 = arith.constant 0 : index
    %get3A_7 = vector.load %arg2[%get3A_6] : memref<512xf32, #tpu.memory_space<vmem>>, vector<512xf32>
    %broadcast_in_dim3A = vector.shape_cast %get3A_7 : vector<512xf32> to vector<1x512xf32>
    %add3A = vector.broadcast %broadcast_in_dim3A : vector<1x512xf32> to vector<32x512xf32>
    %add3A_8 = arith.addf %dot_general3A_5, %add3A : vector<32x512xf32>
    %max3A = arith.constant 0.000000e+00 : f32
    %max3A_9 = vector.broadcast %max3A : f32 to vector<32x512xf32>
    %max3A_10 = arith.maximumf %add3A_8, %max3A_9 : vector<32x512xf32>
    %get3A_11 = arith.constant 0 : index
    %get3A_12 = arith.constant 0 : index
    %get3A_13 = vector.load %arg3[%get3A_11, %get3A_12] : memref<512x256xf32, #tpu.memory_space<vmem>>, vector<512x256xf32>
    %dot_general3A_14 = arith.constant dense<0.000000e+00> : vector<32x256xf32>
    %dot_general3A_15 = tpu.matmul %max3A_10, %get3A_13, %dot_general3A_14 {dimension_numbers = #tpu.dot_dimension_numbers<[1], [0], [0], [1], [0, 0, 1, 1], [], []>, precision = #tpu.contract_precision<fp32>, transpose_lhs_hint = false} : vector<32x512xf32>, vector<512x256xf32>, vector<32x256xf32> -> vector<32x256xf32>
    %get3A_16 = arith.constant 0 : index
    %get3A_17 = vector.load %arg4[%get3A_16] : memref<256xf32, #tpu.memory_space<vmem>>, vector<256xf32>
    %broadcast_in_dim3A_18 = vector.shape_cast %get3A_17 : vector<256xf32> to vector<1x256xf32>
    %add3A_19 = vector.broadcast %broadcast_in_dim3A_18 : vector<1x256xf32> to vector<32x256xf32>
    %add3A_20 = arith.addf %dot_general3A_15, %add3A_19 : vector<32x256xf32>
    %max3A_21 = arith.constant 0.000000e+00 : f32
    %max3A_22 = vector.broadcast %max3A_21 : f32 to vector<32x256xf32>
    %max3A_23 = arith.maximumf %add3A_20, %max3A_22 : vector<32x256xf32>
    %get3A_24 = arith.constant 0 : index
    %get3A_25 = arith.constant 0 : index
    %get3A_26 = vector.load %arg5[%get3A_24, %get3A_25] : memref<256x40xf32, #tpu.memory_space<vmem>>, vector<256x40xf32>
    %dot_general3A_27 = arith.constant dense<0.000000e+00> : vector<32x40xf32>
    %dot_general3A_28 = tpu.matmul %max3A_23, %get3A_26, %dot_general3A_27 {dimension_numbers = #tpu.dot_dimension_numbers<[1], [0], [0], [1], [0, 0, 1, 1], [], []>, precision = #tpu.contract_precision<fp32>, transpose_lhs_hint = false} : vector<32x256xf32>, vector<256x40xf32>, vector<32x40xf32> -> vector<32x40xf32>
    %get3A_29 = arith.constant 0 : index
    %get3A_30 = vector.load %arg6[%get3A_29] : memref<40xf32, #tpu.memory_space<vmem>>, vector<40xf32>
    %broadcast_in_dim3A_31 = vector.shape_cast %get3A_30 : vector<40xf32> to vector<1x40xf32>
    %add3A_32 = vector.broadcast %broadcast_in_dim3A_31 : vector<1x40xf32> to vector<32x40xf32>
    %add3A_33 = arith.addf %dot_general3A_28, %add3A_32 : vector<32x40xf32>
    %reduce_max3A = arith.constant dense<0xFF800000> : vector<32xf32>
    %reduce_max3A_34 = vector.multi_reduction <maximumf>, %add3A_33, %reduce_max3A [1] : vector<32x40xf32> to vector<32xf32>
    %broadcast_in_dim3A_35 = vector.shape_cast %reduce_max3A_34 : vector<32xf32> to vector<32x1xf32>
    %sub3A = vector.broadcast %broadcast_in_dim3A_35 : vector<32x1xf32> to vector<32x40xf32>
    %sub3A_36 = arith.subf %add3A_33, %sub3A : vector<32x40xf32>
    %sub3A_37 = vector.broadcast %broadcast_in_dim3A_35 : vector<32x1xf32> to vector<32x40xf32>
    %sub3A_38 = arith.subf %add3A_33, %sub3A_37 : vector<32x40xf32>
    %exp3A = math.exp %sub3A_38 : vector<32x40xf32>
    %reduce_sum3A = arith.constant dense<0.000000e+00> : vector<32xf32>
    %reduce_sum3A_39 = vector.multi_reduction <add>, %exp3A, %reduce_sum3A [1] : vector<32x40xf32> to vector<32xf32>
    %broadcast_in_dim3A_40 = vector.shape_cast %reduce_sum3A_39 : vector<32xf32> to vector<32x1xf32>
    %log3A = math.log %broadcast_in_dim3A_40 : vector<32x1xf32>
    %sub3A_41 = vector.broadcast %log3A : vector<32x1xf32> to vector<32x40xf32>
    %sub3A_42 = arith.subf %sub3A_36, %sub3A_41 : vector<32x40xf32>
    %swap3A = arith.constant 0 : index
    %swap3A_43 = arith.constant 0 : index
    %swap3A_44 = vector.load %arg7[%swap3A, %swap3A_43] : memref<32x40xf32, #tpu.memory_space<vmem>>, vector<32x40xf32>
    tpu.vector_store %arg7[%swap3A, %swap3A_43], %sub3A_42 {strides = array<i32>} : memref<32x40xf32, #tpu.memory_space<vmem>>, vector<32x40xf32>,
    return
  }
}

</mosaic_0001>

<sc_bundles>
// kernel: kernel.12.cloned.1.call-start
scs
__scs_entry_jumppad:
0x0: {  	(pc) =	sbr.rel $0x88, $3  }
0x1: {  	(tag) =	ssettag $0x0;
	lr =	simm.s32 $0x1  }
0x2: {  	[smem:$0x3F87] =	sst lr;
	_ =	strace $0xD0000000  }
0x3: {  	_ = 	snop  }
0x4: {  	_ = 	snop  }
0x5: {  	_ = 	snop  }
0x6: {  	_ = 	snop  }
0x7: {  	_ = 	snop  }
__scs_overlays_trampoline_lowered:
0x8: {  	[smem:$0x3F96] =	sst s0  }
0x9: {  	[smem:$0x3F97] =	sst s1  }
0xa: {  	[smem:$0x3F98] =	sst s2  }
0xb: {  	[smem:$0x3F99] =	sst s3  }
0xc: {  	[smem:$0x3F9A] =	sst s4  }
0xd: {  	[smem:$0x3F9B] =	sst s5  }
0xe: {  	[smem:$0x3F9C] =	sst s6  }
0xf: {  	[smem:$0x3F9D] =	sst s7  }
0x10: {  	[smem:$0x3F9E] =	sst s8  }
0x11: {  	[smem:$0x3F9F] =	sst s9;
	s0 =	simm.s32 @!p0 $0x0  }
0x12: {  	s1 =	sld [smem:$0x3F85];
	s0 =	simm.s32 @p0 $0x1  }
0x13: {  	[smem:$0x3FA0] =	sst s0;
	s0 =	simm.s32 @!p1 $0x0  }
0x14: {  	s2 =	sld [smem:$0x3F84];
	s0 =	simm.s32 @p1 $0x1  }
0x15: {  	[smem:$0x3FA1] =	sst s0;
	s0 =	simm.s32 @!p2 $0x0  }
0x16: {  	s3 =	sld [smem:$0x3FDB];
	s0 =	simm.s32 @p2 $0x1  }
0x17: {  	s4 =	simm.s32 $0x1BF5;
	[smem:$0x3FA3] =	sst s0  }
0x18: {  	s0 =	sld [smem:$0x3F86];
	_ =	swait.ge [sflag:s4], $0x0  }
0x19: {  	s7 =	sld [smem:$0x3F87]  }
0x1a: {  	s8 =	sadd.s32 $0xFFFFE003, lr  }
0x1b: {  	s9 =	sadd.s32 $0xFFFFFEF7, lr;
	s5 =	simm.s32 $0xFFFFFFFF;
	p2 =	slt.u32 s8, $0xFFFFF086  }
0x1c: {  	p1 =	slt.u32 s9, $0xF7A;
	s5 =	simm.s32 @!p2 $0x0  }
0x1d: {  	s5 =	simm.s32 @p1 $0x1;
	p0 =	seq.s32 s7, s2  }
0x1e: {  	s7 =	smul.u32 @!p0 $0xF7A, s2;
	p2 =	seq.s32 @!p0 s5, $0x0  }
0x1f: {  	s9 =	smul.u32 $0xF7A, s1;
	s8 =	simm.s32 @!p0 $0x1BF5;
	p2 =	por !p2, p0  }
0x20: {  	[sflag:s8] =	ssyncset.s32 @!p0 $0xFFFFF086;
	s6 =	sadd.s32 @!p0 s3, s7;
	s7 =	simm.s32 @!p0 $0x108  }
0x21: {  	s3 =	sadd.s32 s3, s9;
	s6 =	sadd.s32 @!p0 $0x88, s6;
	s7 =	simm.s32 @p2 $0x1082  }
0x22: {  	[simem:s7], [sflag:s8] =	dma.local @!p0 [hbm:s6], $0xF7A  }
0x23: {  	s9 =	sor.u32 $0xD0000000, s2;
	s6 =	simm.s32 $0x108;
	_ =	swait.ge @!p0 [sflag:s8], $0x0  }
0x24: {  	s3 =	sadd.s32 $0x88, s3;
	s6 =	simm.s32 @!p1 $0x1082;
	[sflag:s4] =	ssyncset.s32 $0xFFFFF086  }
0x25: {  	[simem:s6], [sflag:s4] =	dma.local [hbm:s3], $0xF7A  }
0x26: {  	[smem:$0x3F87] =	sst s1;
	(tag) =	ssettag s2;
	_ =	strace s9  }
0x27: {  	s1 =	sld [smem:$0x3F97]  }
0x28: {  	s2 =	sld [smem:$0x3F98]  }
0x29: {  	s4 =	sld [smem:$0x3F9A]  }
0x2a: {  	p0 =	seq.s32 s5, $0x0;
	s5 =	sld [smem:$0x3F9B]  }
0x2b: {  	s6 =	sld [smem:$0x3F9C]  }
0x2c: {  	s7 =	sld [smem:$0x3F9D]  }
0x2d: {  	s3 =	simm.s32 $0x108;
	s8 =	sld [smem:$0x3F9E]  }
0x2e: {  	s3 =	simm.s32 @!p0 $0x1082;
	s9 =	sld [smem:$0x3F9F]  }
0x2f: {  	lr =	sadd.s32 s0, s3;
	s0 =	sld [smem:$0x3F96]  }
0x30: {  	s3 =	sld [smem:$0x3F99]  }
0x31: {  	[smem:$0x3FA2] =	sst s10  }
0x32: {  	s10 =	sld [smem:$0x3FA0];
	_ =	sdelay $0x3  }
0x33: {  	p0 =	seq.s32 s10, $0x1;
	s10 =	sld [smem:$0x3FA2];
	_ =	sdelay $0x3  }
0x34: {  	[smem:$0x3FA2] =	sst s10  }
0x35: {  	s10 =	sld [smem:$0x3FA1];
	_ =	sdelay $0x3  }
0x36: {  	p1 =	seq.s32 s10, $0x1;
	s10 =	sld [smem:$0x3FA2];
	_ =	sdelay $0x3  }
0x37: {  	[smem:$0x3FA2] =	sst s10  }
0x38: {  	s10 =	sld [smem:$0x3FA3]  }
0x39: {  	_ = 	snop;
	(pc) =	sbr.ind lr, $3  }
0x3a: {  	_ = 	snop  }
0x3b: {  	_ = 	snop  }
0x3c: {  	p2 =	seq.s32 s10, $0x1;
	s10 =	sld [smem:$0x3FA2]  }
0x3d: {  	_ =	shalt  }
0x3e: {  	_ =	shalt  }
0x3f: {  	_ =	shalt  }
0x40: {  	_ =	shalt  }
0x41: {  	_ =	shalt  }
0x42: {  	_ =	shalt  }
0x43: {  	_ =	shalt  }
0x44: {  	_ =	shalt  }
0x45: {  	_ =	shalt  }
0x46: {  	_ =	shalt  }
0x47: {  	_ =	shalt  }
0x48: {  	_ =	shalt  }
0x49: {  	_ =	shalt  }
0x4a: {  	_ =	shalt  }
0x4b: {  	_ =	shalt  }
0x4c: {  	_ =	shalt  }
0x4d: {  	_ =	shalt  }
0x4e: {  	_ =	shalt  }
0x4f: {  	_ =	shalt  }
0x50: {  	_ =	shalt  }
0x51: {  	_ =	shalt  }
0x52: {  	_ =	shalt  }
0x53: {  	_ =	shalt  }
0x54: {  	_ =	shalt  }
0x55: {  	_ =	shalt  }
0x56: {  	_ =	shalt  }
0x57: {  	_ =	shalt  }
0x58: {  	_ =	shalt  }
0x59: {  	_ =	shalt  }
0x5a: {  	_ =	shalt  }
0x5b: {  	_ =	shalt  }
0x5c: {  	_ =	shalt  }
0x5d: {  	_ =	shalt  }
0x5e: {  	_ =	shalt  }
0x5f: {  	_ =	shalt  }
0x60: {  	_ =	shalt  }
0x61: {  	_ =	shalt  }
0x62: {  	_ =	shalt  }
0x63: {  	_ =	shalt  }
0x64: {  	_ =	shalt  }
0x65: {  	_ =	shalt  }
0x66: {  	_ =	shalt  }
0x67: {  	_ =	shalt  }
0x68: {  	_ =	shalt  }
0x69: {  	_ =	shalt  }
0x6a: {  	_ =	shalt  }
0x6b: {  	_ =	shalt  }
0x6c: {  	_ =	shalt  }
0x6d: {  	_ =	shalt  }
0x6e: {  	_ =	shalt  }
0x6f: {  	_ =	shalt  }
0x70: {  	_ =	shalt  }
0x71: {  	_ =	shalt  }
0x72: {  	_ =	shalt  }
0x73: {  	_ =	shalt  }
0x74: {  	_ =	shalt  }
0x75: {  	_ =	shalt  }
0x76: {  	_ =	shalt  }
0x77: {  	_ =	shalt  }
0x78: {  	_ =	shalt  }
0x79: {  	_ =	shalt  }
0x7a: {  	_ =	shalt  }
0x7b: {  	_ =	shalt  }
0x7c: {  	_ =	shalt  }
0x7d: {  	_ =	shalt  }
0x7e: {  	_ =	shalt  }
0x7f: {  	_ =	shalt  }
0x80: {  	_ =	shalt  }
0x81: {  	_ =	shalt  }
0x82: {  	_ =	shalt  }
0x83: {  	_ =	shalt  }
0x84: {  	_ =	shalt  }
0x85: {  	_ =	shalt  }
0x86: {  	_ =	shalt  }
0x87: {  	_ =	shalt  }
.Lfunc_end0:
.L_simem_size_0:
called_computation.1_lowered:
.L_overlay_start_0:
0x88: {  	s2 =	sld [smem:$0x3FD9]  }
0x89: {  	s3 =	sld [smem:$0x3FFE];
	_ =	sdelay $0x1  }
0x8a: {  	s1 =	srdreg.scid  }
0x8b: {  	s0 =	sand.u32 $0x1, s1  }
0x8c: {  	s17 =	sshll.u32 s0, $0xA;
	s2 =	sadd.s32 s3, s2  }
0x8d: {  	s2 =	sadd.s32 s2, s17  }
0x8e: {  	[smem:$0x3FAE] =	sst s2  }
0x8f: {  	_ = 	snop  }
0x90: {  	(tm) =	ssettm $0x1  }
0x91: {  	s18 =	sld [smem:$0x3FFB];
	_ =	sdelay $0x3  }
0x92: {  	_ =	strace s18  }
0x93: {  	s2 =	sld [smem:$0x3FFC];
	_ =	sdelay $0x3  }
0x94: {  	_ =	strace s2  }
0x95: {  	s2 =	sld [smem:$0x3FFD];
	_ =	sdelay $0x3  }
0x96: {  	_ =	strace s2  }
0x97: {  	_ =	strace $0x8FFFFFFF  }
0x98: {  	s19 =	sld [smem:$0x3FDB];
	_ =	sdelay $0x1  }
0x99: {  	s20 =	simm.s32 $_scs_section_size  }
0x9a: {  	s4 =	simm.s32 $_size__tile_overlayer_lowered;
	s5 =	simm.s32 $_tile_overlayer_lowered  }
0x9b: {  	s6 =	simm.s32 $0x1BFF;
	s21 =	sshll.u32 s5, $0x1;
	s3 =	sadd.s32 s20, s19  }
0x9c: {  	s22 =	simm.s32 $0x0;
	s4 =	sshll.u32 s4, $0x1;
	s5 =	sadd.s32 s21, s3  }
0x9d: {  	[timem:s22], [sflag:s6] =	dma.local [hbm:s5], s4  }
0x9e: {  	_ =	swait.ge [sflag:s6], s4  }
0x9f: {  	s4 =	ssub.s32 $0x0, s4;
	[sflag:s6] =	ssyncset.done $0x0  }
0xa0: {  	[sflag:s6] =	ssyncadd.s32 s4;
	_ =	sdelay $0x1  }
0xa1: {  	s23 =	simm.s32 $0x1B8B  }
0xa2: {  	_ =	swait.ge [sflag:s23], $0x1  }
0xa3: {  	[sflag:s23] =	ssyncset.done $0x0  }
0xa4: {  	[sflag:s23] =	ssyncadd.s32 $0xFFFFFFFF  }
0xa5: {  	s4 =	sld [smem:$0x0]  }
0xa6: {  	s5 =	sand.u32 $0xFFFFFFFE, s1  }
0xa7: {  	p0 =	sne.s32 s1, s5  }
0xa8: {  	s5 =	sshll.u32 @p0 s5, $0xE  }
0xa9: {  	s5 =	sadd.s32 @p0 $0x11B8D, s5;
	s6 =	sshll.u32 @p0 s4, $0x11  }
0xaa: {  	s5 =	sor.u32 @p0 s6, s5  }
0xab: {  	[sflag:s5] =	ssyncadd.remote.s32 @p0 $0x1;
	_ =	sdelay $0x1  }
0xac: {  	s5 =	simm.s32 @p0 $0x1B8D  }
0xad: {  	_ =	swait.eq @p0 [sflag:s5], $0x1  }
0xae: {  	[sflag:s5] =	ssyncadd.s32 @p0 $0xFFFFFFFF  }
0xaf: {  	s6 =	sshll.u32 @!p0 s1, $0xE  }
0xb0: {  	s6 =	sor.u32 @!p0 $0x4000, s6;
	s5 =	simm.s32 @!p0 $0x1B8D  }
0xb1: {  	s4 =	sshll.u32 @!p0 s4, $0x11;
	s6 =	sadd.s32 @!p0 $0x11B8D, s6;
	_ =	swait.eq @!p0 [sflag:s5], $0x1  }
0xb2: {  	s4 =	sor.u32 @!p0 s4, s6;
	[sflag:s5] =	ssyncadd.s32 @!p0 $0xFFFFFFFF  }
0xb3: {  	s25 =	simm.s32 $0x1B8E;
	s24 =	sld [smem:$0x3FFE];
	[sflag:s4] =	ssyncadd.remote.s32 @!p0 $0x1  }
0xb4: {  	s26 =	simm.s32 $execute0_lowered;
	[smem:$0x3FD2] =	sst s25  }
0xb5: {  	s5 =	sshll.u32 s26, $0x1;
	_ =	strace $0x80000049;
	[dreg:$0x1] =	wrdreg $0xFFFFFFFF  }
0xb6: {  	s28 =	simm.s32 $_size_execute0_lowered;
	s3 =	sadd.s32 s3, s5;
	[dreg:$0x0] =	wrdreg $0x0  }
0xb7: {  	s5 =	sshll.u32 s28, $0x1;
	[dreg:$0x2] =	wrdreg s3  }
0xb8: {  	[dreg:$0x3] =	wrdreg s5  }
0xb9: {  	[dreg:$0x4] =	wrdreg $0xC0  }
0xba: {  	_ =	task [dreg:s22], $0x5FFFF  }
0xbb: {  	[dreg:$0x1] =	wrdreg $0xFFFFFFFF  }
0xbc: {  	[dreg:$0x0] =	wrdreg $0x60  }
0xbd: {  	[dreg:$0x2] =	wrdreg s24  }
0xbe: {  	[dreg:$0x3] =	wrdreg $0xA  }
0xbf: {  	_ =	task.clear_ibuf [dreg:s22], $0x4FFFF;
	_ =	strace $0x90000049  }
0xc0: {  	s29 =	simm.s32 $0xA;
	_ =	strace $0x8000004B  }
0xc1: {  	_ =	swait.ge [sflag:s29], $0x1  }
0xc2: {  	[sflag:s29] =	ssyncadd.s32 $0xFFFFFFFF  }
0xc3: {  	_ =	strace $0x9000004B  }
0xc4: {  	_ =	sfence  }
0xc5: {  	s30 =	sld [smem:$0x0];
	_ =	sdelay $0x2  }
0xc6: {  	s31 =	sshll.u32 s1, $0xD;
	s1 =	sshrl.u32 s1, $0x2  }
0xc7: {  	s4 =	sand.u32 $0x4000, s31;
	s1 =	sadd.s32 s1, s30  }
0xc8: {  	s0 =	sor.u32 s4, s0;
	s1 =	sshll.u32 s1, $0x11  }
0xc9: {  	s0 =	sor.u32 s1, s0  }
0xca: {  	s0 =	sadd.s32 $0x8F2B, s0  }
0xcb: {  	[sflag:s0] =	ssyncadd.remote.s32 $0x1  }
0xcc: {  	_ =	sfence.sel $0xFFFF  }
0xcd: {  	[dreg:$0x0] =	wrdreg $0xFFFFFFFF;
	(pc) =	sbr.abs _section_cstart, $3  }
0xce: {  	[dreg:$0x1] =	wrdreg $0xFFFFFFFF  }
0xcf: {  	_ =	task.clear_ibuf [dreg:s22], $0x2FFFF;
	_ =	strace $0x9FFFFFFF  }
0xd0: {  	(tm) =	ssettm $0x7FFFFFFF  }
0xd1: {  	_ =	shalt  }
tec
execute0_lowered:
.L_overlay_start_1:
0x0: {  	(tag) =	ssettag $0x1  }
0x1: {  	s4 =	rddreg [dreg:$0x0]  }
0x2: {  	s0 =	rddreg [dreg:$0x1];
	s2 =	simm.s32 $0x0;
	s3 =	srdreg.scid  }
0x3: {  	s1 =	stileid.u32;
	s10 =	simm.s32 $0x0;
	[smem:$0x7FF] =	sst s2  }
0x4: {  	s5 =	sand.u32 $0x1, s3;
	s6 =	sshll.u32 s1, $0xE;
	s3 =	sadd.s32 $0x2AD400, s4  }
0x5: {  	s8 =	sshll.u32 s1, $0x11;
	_ =	strace $0x8000004A;
	s7 =	sshll.u32 s5, $0xD  }
0x6: {  	s31 =	ssub.s32 $0x2, s5;
	s8 =	sadd.s32 s8, s4;
	s5 =	sshll.u32 s5, $0x10  }
0x7: {  	s6 =	sor.u32 s7, s6;
	s9 =	sshrl.u32 s31, $0x1;
	s5 =	sadd.s32 s5, s8  }
0x8: {  	s8 =	simm.s32 $0x400;
	s6 =	sshrl.u32 s6, $0x3;
	s7 =	ssub.s32 s31, s9  }
0x9: {  	s5 =	sadd.s32 $0x2D5400, s5;
	s9 =	simm.s32 $0x1;
	s6 =	sadd.s32 s6, s4  }
0xa: {  	s4 =	smax.u32 s7, $0x1;
	s7 =	simm.s32 $0x2;
	s6 =	sadd.s32 $0x2CD400, s6  }
.LBB2_1:
0xb: {  	s11 =	sadd.s32 $0x0, s6  }
0xc: {  	[tilespmem:s2], [sflag:$0x2] =	stream.linear.gather [hbm4b:s11+s2], $0x400, $0x38;
	[tilespmem:$0x10400] =	vst v63  }
0xd: {  	_ =	swait.ge [sflag:s7], $0x400  }
0xe: {  	[sflag:s7] =	ssyncset.done $0x0  }
0xf: {  	[sflag:s7] =	ssyncadd.s32 $0xFFFFFC00  }
0x10: {  	[tilespmem:s8], [sflag:$0x1] =	stream.indirect.gather [hbm4b:s3+s8], $0x40, s2, s8, $0xb8;
	[tilespmem:$0x10400] =	vst v63  }
0x11: {  	_ =	swait.ge [sflag:s9], $0x10000  }
0x12: {  	[sflag:s9] =	ssyncset.done $0x0  }
0x13: {  	[sflag:s9] =	ssyncadd.s32 $0xFFFF0000  }
0x14: {  	[hbm4b:s5+s2] =	stream.linear.scatter [tilespmem:s8], [sflag:$0x2], $0x10000, $0x38;
	[tilespmem:$0x10400] =	vst v63  }
0x15: {  	s12 =	simm.s32 $0x80;
	_ =	swait.ge [sflag:s7], $0x10000  }
0x16: {  	s13 =	simm.s32 $0x100;
	s11 =	sadd.s32 $0x2000, s5;
	[sflag:s7] =	ssyncset.done $0x0  }
.LBB2_2:
0x17: {  	s14 =	sadd.s32 s12, s6  }
0x18: {  	[sflag:s7] =	ssyncadd.s32 $0xFFFF0000;
	s12 =	smov.u32 s13;
	s15 =	sadd.s32 $0x80, s13  }
0x19: {  	[tilespmem:s2], [sflag:$0x2] =	stream.linear.gather [hbm4b:s14+s2], $0x400, $0x38;
	[tilespmem:$0x10400] =	vst v63  }
0x1a: {  	p0 =	sne.s32 s13, $0x380;
	_ =	swait.ge [sflag:s7], $0x400  }
0x1b: {  	[sflag:s7] =	ssyncset.done $0x0  }
0x1c: {  	[sflag:s7] =	ssyncadd.s32 $0xFFFFFC00  }
0x1d: {  	[tilespmem:s8], [sflag:$0x1] =	stream.indirect.gather [hbm4b:s3+s8], $0x40, s2, s8, $0xb8;
	[tilespmem:$0x10400] =	vst v63  }
0x1e: {  	_ =	swait.ge [sflag:s9], $0x10000  }
.Ltmp0:
0x1f: {  	[sflag:s9] =	ssyncset.done $0x0;
	(pc) =	sbr.rel @p0 .LBB2_2-.Ltmp0, $4  }
0x20: {  	[sflag:s9] =	ssyncadd.s32 $0xFFFF0000  }
0x21: {  	[hbm4b:s11+s2] =	stream.linear.scatter [tilespmem:s8], [sflag:$0x2], $0x10000, $0x38;
	[tilespmem:$0x10400] =	vst v63  }
0x22: {  	_ =	swait.ge [sflag:s7], $0x10000  }
0x23: {  	s13 =	smov.u32 s15;
	s11 =	sadd.s32 $0x2000, s11;
	[sflag:s7] =	ssyncset.done $0x0  }
0x24: {  	s12 =	sadd.s32 s12, s6;
	[sflag:s7] =	ssyncadd.s32 $0xFFFF0000  }
0x25: {  	[tilespmem:s2], [sflag:$0x2] =	stream.linear.gather [hbm4b:s12+s2], $0x400, $0x38;
	[tilespmem:$0x10400] =	vst v63  }
0x26: {  	_ =	swait.ge [sflag:s7], $0x400  }
0x27: {  	[sflag:s7] =	ssyncset.done $0x0  }
0x28: {  	[sflag:s7] =	ssyncadd.s32 $0xFFFFFC00  }
0x29: {  	[tilespmem:s8], [sflag:$0x1] =	stream.indirect.gather [hbm4b:s3+s8], $0x40, s2, s8, $0xb8;
	[tilespmem:$0x10400] =	vst v63  }
0x2a: {  	s10 =	sadd.s32 $0x1, s10;
	_ =	swait.ge [sflag:s9], $0x10000  }
0x2b: {  	p0 =	sne.s32 s10, s4;
	[sflag:s9] =	ssyncset.done $0x0  }
.Ltmp1:
0x2c: {  	[sflag:s9] =	ssyncadd.s32 $0xFFFF0000;
	(pc) =	sbr.rel @p0 .LBB2_1-.Ltmp1, $4  }
0x2d: {  	[hbm4b:s11+s2] =	stream.linear.scatter [tilespmem:s8], [sflag:$0x2], $0x10000, $0x38;
	[tilespmem:$0x10400] =	vst v63  }
0x2e: {  	_ =	swait.ge [sflag:s7], $0x10000  }
0x2f: {  	[sflag:s7] =	ssyncset.done $0x0  }
0x30: {  	[sflag:s7] =	ssyncadd.s32 $0xFFFF0000  }
0x31: {  	_ =	sfence.sel $0x180000  }
0x32: {  	[bflag:$0x0] =	sbarrier.arrive $0xFFFF  }
0x33: {  	p0 =	sne.s32 s1, $0x0;
	_ =	strace $0x9000004A  }
0x34: {  	s0 =	sadd.s32 @!p0 $0x100000, s0;
	[bflag:$0x2] =	sbarrier.arrive $0xFFFF  }
0x35: {  	[sflag:s0] =	ssyncadd.tile.s32 @!p0 $0x1;
	_ =	shalt  }
.Lfunc_end2:
_tile_overlayer_lowered:
.L_overlay_start_2:
0x36: {  	(tag) =	ssettag $0x2  }
0x37: {  	s0 =	rddreg [dreg:$0x0];
	s2 =	stileid.u32  }
0x38: {  	s1 =	rddreg [dreg:$0x1];
	p0 =	sne.s32 s2, $0x0  }
0x39: {  	s3 =	rddreg [dreg:$0x2];
	[bflag:$0x3] =	sbarrier.arrive $0xFFFF;
	s2 =	simm.s32 @!p0 $0x1C02  }
0x3a: {  	[timem:s3], [sflag:s2] =	dma.local @!p0 [hbm:s0], s1  }
0x3b: {  	s0 =	simm.s32 @!p0 $0x2  }
0x3c: {  	_ =	swait.ge @!p0 [sflag:s0], s1  }
0x3d: {  	s1 =	ssub.s32 @!p0 $0x0, s1;
	[sflag:s0] =	ssyncset.done @!p0 $0x0  }
0x3e: {  	[sflag:s0] =	ssyncadd.s32 @!p0 s1  }
0x3f: {  	[bflag:$0x3] =	sbarrier.arrive $0xFFFF  }
0x40: {  	_ =	shalt  }

// kernel: kernel.9.cloned.1.call-start
scs
__scs_entry_jumppad:
0x0: {  	(pc) =	sbr.rel $0x88, $3  }
0x1: {  	(tag) =	ssettag $0x0;
	lr =	simm.s32 $0x1  }
0x2: {  	[smem:$0x3F87] =	sst lr;
	_ =	strace $0xD0000000  }
0x3: {  	_ = 	snop  }
0x4: {  	_ = 	snop  }
0x5: {  	_ = 	snop  }
0x6: {  	_ = 	snop  }
0x7: {  	_ = 	snop  }
__scs_overlays_trampoline_lowered:
0x8: {  	[smem:$0x3F96] =	sst s0  }
0x9: {  	[smem:$0x3F97] =	sst s1  }
0xa: {  	[smem:$0x3F98] =	sst s2  }
0xb: {  	[smem:$0x3F99] =	sst s3  }
0xc: {  	[smem:$0x3F9A] =	sst s4  }
0xd: {  	[smem:$0x3F9B] =	sst s5  }
0xe: {  	[smem:$0x3F9C] =	sst s6  }
0xf: {  	[smem:$0x3F9D] =	sst s7  }
0x10: {  	[smem:$0x3F9E] =	sst s8  }
0x11: {  	[smem:$0x3F9F] =	sst s9;
	s0 =	simm.s32 @!p0 $0x0  }
0x12: {  	s1 =	sld [smem:$0x3F85];
	s0 =	simm.s32 @p0 $0x1  }
0x13: {  	[smem:$0x3FA0] =	sst s0;
	s0 =	simm.s32 @!p1 $0x0  }
0x14: {  	s2 =	sld [smem:$0x3F84];
	s0 =	simm.s32 @p1 $0x1  }
0x15: {  	[smem:$0x3FA1] =	sst s0;
	s0 =	simm.s32 @!p2 $0x0  }
0x16: {  	s3 =	sld [smem:$0x3FDB];
	s0 =	simm.s32 @p2 $0x1  }
0x17: {  	s4 =	simm.s32 $0x1BF5;
	[smem:$0x3FA3] =	sst s0  }
0x18: {  	s0 =	sld [smem:$0x3F86];
	_ =	swait.ge [sflag:s4], $0x0  }
0x19: {  	s7 =	sld [smem:$0x3F87]  }
0x1a: {  	s8 =	sadd.s32 $0xFFFFE003, lr  }
0x1b: {  	s9 =	sadd.s32 $0xFFFFFEF7, lr;
	s5 =	simm.s32 $0xFFFFFFFF;
	p2 =	slt.u32 s8, $0xFFFFF086  }
0x1c: {  	p1 =	slt.u32 s9, $0xF7A;
	s5 =	simm.s32 @!p2 $0x0  }
0x1d: {  	s5 =	simm.s32 @p1 $0x1;
	p0 =	seq.s32 s7, s2  }
0x1e: {  	s7 =	smul.u32 @!p0 $0xF7A, s2;
	p2 =	seq.s32 @!p0 s5, $0x0  }
0x1f: {  	s9 =	smul.u32 $0xF7A, s1;
	s8 =	simm.s32 @!p0 $0x1BF5;
	p2 =	por !p2, p0  }
0x20: {  	[sflag:s8] =	ssyncset.s32 @!p0 $0xFFFFF086;
	s6 =	sadd.s32 @!p0 s3, s7;
	s7 =	simm.s32 @!p0 $0x108  }
0x21: {  	s3 =	sadd.s32 s3, s9;
	s6 =	sadd.s32 @!p0 $0x88, s6;
	s7 =	simm.s32 @p2 $0x1082  }
0x22: {  	[simem:s7], [sflag:s8] =	dma.local @!p0 [hbm:s6], $0xF7A  }
0x23: {  	s9 =	sor.u32 $0xD0000000, s2;
	s6 =	simm.s32 $0x108;
	_ =	swait.ge @!p0 [sflag:s8], $0x0  }
0x24: {  	s3 =	sadd.s32 $0x88, s3;
	s6 =	simm.s32 @!p1 $0x1082;
	[sflag:s4] =	ssyncset.s32 $0xFFFFF086  }
0x25: {  	[simem:s6], [sflag:s4] =	dma.local [hbm:s3], $0xF7A  }
0x26: {  	[smem:$0x3F87] =	sst s1;
	(tag) =	ssettag s2;
	_ =	strace s9  }
0x27: {  	s1 =	sld [smem:$0x3F97]  }
0x28: {  	s2 =	sld [smem:$0x3F98]  }
0x29: {  	s4 =	sld [smem:$0x3F9A]  }
0x2a: {  	p0 =	seq.s32 s5, $0x0;
	s5 =	sld [smem:$0x3F9B]  }
0x2b: {  	s6 =	sld [smem:$0x3F9C]  }
0x2c: {  	s7 =	sld [smem:$0x3F9D]  }
0x2d: {  	s3 =	simm.s32 $0x108;
	s8 =	sld [smem:$0x3F9E]  }
0x2e: {  	s3 =	simm.s32 @!p0 $0x1082;
	s9 =	sld [smem:$0x3F9F]  }
0x2f: {  	lr =	sadd.s32 s0, s3;
	s0 =	sld [smem:$0x3F96]  }
0x30: {  	s3 =	sld [smem:$0x3F99]  }
0x31: {  	[smem:$0x3FA2] =	sst s10  }
0x32: {  	s10 =	sld [smem:$0x3FA0];
	_ =	sdelay $0x3  }
0x33: {  	p0 =	seq.s32 s10, $0x1;
	s10 =	sld [smem:$0x3FA2];
	_ =	sdelay $0x3  }
0x34: {  	[smem:$0x3FA2] =	sst s10  }
0x35: {  	s10 =	sld [smem:$0x3FA1];
	_ =	sdelay $0x3  }
0x36: {  	p1 =	seq.s32 s10, $0x1;
	s10 =	sld [smem:$0x3FA2];
	_ =	sdelay $0x3  }
0x37: {  	[smem:$0x3FA2] =	sst s10  }
0x38: {  	s10 =	sld [smem:$0x3FA3]  }
0x39: {  	_ = 	snop;
	(pc) =	sbr.ind lr, $3  }
0x3a: {  	_ = 	snop  }
0x3b: {  	_ = 	snop  }
0x3c: {  	p2 =	seq.s32 s10, $0x1;
	s10 =	sld [smem:$0x3FA2]  }
0x3d: {  	_ =	shalt  }
0x3e: {  	_ =	shalt  }
0x3f: {  	_ =	shalt  }
0x40: {  	_ =	shalt  }
0x41: {  	_ =	shalt  }
0x42: {  	_ =	shalt  }
0x43: {  	_ =	shalt  }
0x44: {  	_ =	shalt  }
0x45: {  	_ =	shalt  }
0x46: {  	_ =	shalt  }
0x47: {  	_ =	shalt  }
0x48: {  	_ =	shalt  }
0x49: {  	_ =	shalt  }
0x4a: {  	_ =	shalt  }
0x4b: {  	_ =	shalt  }
0x4c: {  	_ =	shalt  }
0x4d: {  	_ =	shalt  }
0x4e: {  	_ =	shalt  }
0x4f: {  	_ =	shalt  }
0x50: {  	_ =	shalt  }
0x51: {  	_ =	shalt  }
0x52: {  	_ =	shalt  }
0x53: {  	_ =	shalt  }
0x54: {  	_ =	shalt  }
0x55: {  	_ =	shalt  }
0x56: {  	_ =	shalt  }
0x57: {  	_ =	shalt  }
0x58: {  	_ =	shalt  }
0x59: {  	_ =	shalt  }
0x5a: {  	_ =	shalt  }
0x5b: {  	_ =	shalt  }
0x5c: {  	_ =	shalt  }
0x5d: {  	_ =	shalt  }
0x5e: {  	_ =	shalt  }
0x5f: {  	_ =	shalt  }
0x60: {  	_ =	shalt  }
0x61: {  	_ =	shalt  }
0x62: {  	_ =	shalt  }
0x63: {  	_ =	shalt  }
0x64: {  	_ =	shalt  }
0x65: {  	_ =	shalt  }
0x66: {  	_ =	shalt  }
0x67: {  	_ =	shalt  }
0x68: {  	_ =	shalt  }
0x69: {  	_ =	shalt  }
0x6a: {  	_ =	shalt  }
0x6b: {  	_ =	shalt  }
0x6c: {  	_ =	shalt  }
0x6d: {  	_ =	shalt  }
0x6e: {  	_ =	shalt  }
0x6f: {  	_ =	shalt  }
0x70: {  	_ =	shalt  }
0x71: {  	_ =	shalt  }
0x72: {  	_ =	shalt  }
0x73: {  	_ =	shalt  }
0x74: {  	_ =	shalt  }
0x75: {  	_ =	shalt  }
0x76: {  	_ =	shalt  }
0x77: {  	_ =	shalt  }
0x78: {  	_ =	shalt  }
0x79: {  	_ =	shalt  }
0x7a: {  	_ =	shalt  }
0x7b: {  	_ =	shalt  }
0x7c: {  	_ =	shalt  }
0x7d: {  	_ =	shalt  }
0x7e: {  	_ =	shalt  }
0x7f: {  	_ =	shalt  }
0x80: {  	_ =	shalt  }
0x81: {  	_ =	shalt  }
0x82: {  	_ =	shalt  }
0x83: {  	_ =	shalt  }
0x84: {  	_ =	shalt  }
0x85: {  	_ =	shalt  }
0x86: {  	_ =	shalt  }
0x87: {  	_ =	shalt  }
.Lfunc_end0:
.L_simem_size_0:
called_computation_lowered:
.L_overlay_start_0:
0x88: {  	s2 =	sld [smem:$0x3FD9]  }
0x89: {  	s3 =	sld [smem:$0x3FFE];
	_ =	sdelay $0x1  }
0x8a: {  	s1 =	srdreg.scid  }
0x8b: {  	s0 =	sand.u32 $0x1, s1  }
0x8c: {  	s16 =	sshll.u32 s0, $0xA;
	s2 =	sadd.s32 s3, s2  }
0x8d: {  	s2 =	sadd.s32 s2, s16  }
0x8e: {  	[smem:$0x3FAE] =	sst s2  }
0x8f: {  	_ = 	snop  }
0x90: {  	(tm) =	ssettm $0x1  }
0x91: {  	s17 =	sld [smem:$0x3FFB];
	_ =	sdelay $0x3  }
0x92: {  	_ =	strace s17  }
0x93: {  	s2 =	sld [smem:$0x3FFC];
	_ =	sdelay $0x3  }
0x94: {  	_ =	strace s2  }
0x95: {  	s2 =	sld [smem:$0x3FFD];
	_ =	sdelay $0x3  }
0x96: {  	_ =	strace s2  }
0x97: {  	_ =	strace $0x8FFFFFFF  }
0x98: {  	s18 =	sld [smem:$0x3FDB];
	_ =	sdelay $0x1  }
0x99: {  	s19 =	simm.s32 $_scs_section_size  }
0x9a: {  	s4 =	simm.s32 $_size__tile_overlayer_lowered;
	s5 =	simm.s32 $_tile_overlayer_lowered  }
0x9b: {  	s22 =	simm.s32 $0x1BFF;
	s21 =	sshll.u32 s5, $0x1;
	s2 =	sadd.s32 s19, s18  }
0x9c: {  	s6 =	simm.s32 $0x0;
	s20 =	sshll.u32 s4, $0x1;
	s4 =	sadd.s32 s21, s2  }
0x9d: {  	[timem:s6], [sflag:s22] =	dma.local [hbm:s4], s20  }
0x9e: {  	_ =	swait.ge [sflag:s22], s20  }
0x9f: {  	s3 =	ssub.s32 $0x0, s20;
	[sflag:s22] =	ssyncset.done $0x0  }
0xa0: {  	[sflag:s22] =	ssyncadd.s32 s3;
	_ =	sdelay $0x1  }
0xa1: {  	s23 =	simm.s32 $0x1B8B  }
0xa2: {  	_ =	swait.ge [sflag:s23], $0x1  }
0xa3: {  	[sflag:s23] =	ssyncset.done $0x0  }
0xa4: {  	s25 =	simm.s32 $0x1B8E;
	s24 =	sld [smem:$0x3FFE];
	[sflag:s23] =	ssyncadd.s32 $0xFFFFFFFF  }
0xa5: {  	s26 =	simm.s32 $execute0_lowered;
	[smem:$0x3FD2] =	sst s25  }
0xa6: {  	s4 =	sshll.u32 s26, $0x1;
	_ =	strace $0x80000046;
	[dreg:$0x1] =	wrdreg $0xFFFFFFFF  }
0xa7: {  	s28 =	simm.s32 $_size_execute0_lowered;
	s2 =	sadd.s32 s2, s4;
	[dreg:$0x0] =	wrdreg $0x0  }
0xa8: {  	s4 =	sshll.u32 s28, $0x1;
	[dreg:$0x2] =	wrdreg s2  }
0xa9: {  	[dreg:$0x3] =	wrdreg s4  }
0xaa: {  	[dreg:$0x4] =	wrdreg $0xC0  }
0xab: {  	_ =	task [dreg:s6], $0x5FFFF  }
0xac: {  	[dreg:$0x1] =	wrdreg $0xFFFFFFFF  }
0xad: {  	[dreg:$0x0] =	wrdreg $0x60  }
0xae: {  	[dreg:$0x2] =	wrdreg s24  }
0xaf: {  	[dreg:$0x3] =	wrdreg $0x9  }
0xb0: {  	_ =	task.clear_ibuf [dreg:s6], $0x4FFFF;
	_ =	strace $0x90000046  }
0xb1: {  	s29 =	simm.s32 $0x9;
	_ =	strace $0x80000048  }
0xb2: {  	_ =	swait.ge [sflag:s29], $0x1  }
0xb3: {  	[sflag:s29] =	ssyncadd.s32 $0xFFFFFFFF  }
0xb4: {  	_ =	strace $0x90000048  }
0xb5: {  	_ =	sfence  }
0xb6: {  	s30 =	sld [smem:$0x0];
	_ =	sdelay $0x2  }
0xb7: {  	s31 =	sshll.u32 s1, $0xD;
	s1 =	sshrl.u32 s1, $0x2  }
0xb8: {  	s3 =	sand.u32 $0x4000, s31;
	s1 =	sadd.s32 s1, s30  }
0xb9: {  	s0 =	sor.u32 s3, s0;
	s1 =	sshll.u32 s1, $0x11  }
0xba: {  	s0 =	sor.u32 s1, s0  }
0xbb: {  	s0 =	sadd.s32 $0x8F2B, s0  }
0xbc: {  	[sflag:s0] =	ssyncadd.remote.s32 $0x1  }
0xbd: {  	_ =	sfence.sel $0xFFFF  }
0xbe: {  	[dreg:$0x0] =	wrdreg $0xFFFFFFFF;
	(pc) =	sbr.abs _section_cstart, $3  }
0xbf: {  	[dreg:$0x1] =	wrdreg $0xFFFFFFFF  }
0xc0: {  	_ =	task.clear_ibuf [dreg:s6], $0x2FFFF;
	_ =	strace $0x9FFFFFFF  }
0xc1: {  	(tm) =	ssettm $0x7FFFFFFF  }
tec
execute0_lowered:
.L_overlay_start_1:
0x0: {  	(tag) =	ssettag $0x1  }
0x1: {  	s4 =	rddreg [dreg:$0x0]  }
0x2: {  	s0 =	rddreg [dreg:$0x1];
	s2 =	simm.s32 $0x0;
	s3 =	srdreg.scid  }
0x3: {  	s1 =	stileid.u32;
	s10 =	simm.s32 $0x0;
	[smem:$0x7FF] =	sst s2  }
0x4: {  	s5 =	sand.u32 $0x1, s3;
	s6 =	sshll.u32 s1, $0xE;
	s3 =	sadd.s32 $0x45400, s4  }
0x5: {  	s8 =	sshll.u32 s1, $0x11;
	_ =	strace $0x80000047;
	s7 =	sshll.u32 s5, $0xD  }
0x6: {  	s31 =	ssub.s32 $0x2, s5;
	s8 =	sadd.s32 s8, s4;
	s5 =	sshll.u32 s5, $0x10  }
0x7: {  	s6 =	sor.u32 s7, s6;
	s9 =	sshrl.u32 s31, $0x1;
	s5 =	sadd.s32 s5, s8  }
0x8: {  	s8 =	simm.s32 $0x400;
	s6 =	sshrl.u32 s6, $0x3;
	s7 =	ssub.s32 s31, s9  }
0x9: {  	s5 =	sadd.s32 $0x6D400, s5;
	s9 =	simm.s32 $0x1;
	s6 =	sadd.s32 s6, s4  }
0xa: {  	s4 =	smax.u32 s7, $0x1;
	s7 =	simm.s32 $0x2;
	s6 =	sadd.s32 $0x65400, s6  }
.LBB2_1:
0xb: {  	s11 =	sadd.s32 $0x0, s6  }
0xc: {  	[tilespmem:s2], [sflag:$0x2] =	stream.linear.gather [hbm4b:s11+s2], $0x400, $0x38;
	[tilespmem:$0x10400] =	vst v63  }
0xd: {  	_ =	swait.ge [sflag:s7], $0x400  }
0xe: {  	[sflag:s7] =	ssyncset.done $0x0  }
0xf: {  	[sflag:s7] =	ssyncadd.s32 $0xFFFFFC00  }
0x10: {  	[tilespmem:s8], [sflag:$0x1] =	stream.indirect.gather [hbm4b:s3+s8], $0x40, s2, s8, $0xb8;
	[tilespmem:$0x10400] =	vst v63  }
0x11: {  	_ =	swait.ge [sflag:s9], $0x10000  }
0x12: {  	[sflag:s9] =	ssyncset.done $0x0  }
0x13: {  	[sflag:s9] =	ssyncadd.s32 $0xFFFF0000  }
0x14: {  	[hbm4b:s5+s2] =	stream.linear.scatter [tilespmem:s8], [sflag:$0x2], $0x10000, $0x38;
	[tilespmem:$0x10400] =	vst v63  }
0x15: {  	s12 =	simm.s32 $0x80;
	_ =	swait.ge [sflag:s7], $0x10000  }
0x16: {  	s13 =	simm.s32 $0x100;
	s11 =	sadd.s32 $0x2000, s5;
	[sflag:s7] =	ssyncset.done $0x0  }
.LBB2_2:
0x17: {  	s14 =	sadd.s32 s12, s6  }
0x18: {  	[sflag:s7] =	ssyncadd.s32 $0xFFFF0000;
	s12 =	smov.u32 s13;
	s15 =	sadd.s32 $0x80, s13  }
0x19: {  	[tilespmem:s2], [sflag:$0x2] =	stream.linear.gather [hbm4b:s14+s2], $0x400, $0x38;
	[tilespmem:$0x10400] =	vst v63  }
0x1a: {  	p0 =	sne.s32 s13, $0x380;
	_ =	swait.ge [sflag:s7], $0x400  }
0x1b: {  	[sflag:s7] =	ssyncset.done $0x0  }
0x1c: {  	[sflag:s7] =	ssyncadd.s32 $0xFFFFFC00  }
0x1d: {  	[tilespmem:s8], [sflag:$0x1] =	stream.indirect.gather [hbm4b:s3+s8], $0x40, s2, s8, $0xb8;
	[tilespmem:$0x10400] =	vst v63  }
0x1e: {  	_ =	swait.ge [sflag:s9], $0x10000  }
.Ltmp0:
0x1f: {  	[sflag:s9] =	ssyncset.done $0x0;
	(pc) =	sbr.rel @p0 .LBB2_2-.Ltmp0, $4  }
0x20: {  	[sflag:s9] =	ssyncadd.s32 $0xFFFF0000  }
0x21: {  	[hbm4b:s11+s2] =	stream.linear.scatter [tilespmem:s8], [sflag:$0x2], $0x10000, $0x38;
	[tilespmem:$0x10400] =	vst v63  }
0x22: {  	_ =	swait.ge [sflag:s7], $0x10000  }
0x23: {  	s13 =	smov.u32 s15;
	s11 =	sadd.s32 $0x2000, s11;
	[sflag:s7] =	ssyncset.done $0x0  }
0x24: {  	s12 =	sadd.s32 s12, s6;
	[sflag:s7] =	ssyncadd.s32 $0xFFFF0000  }
0x25: {  	[tilespmem:s2], [sflag:$0x2] =	stream.linear.gather [hbm4b:s12+s2], $0x400, $0x38;
	[tilespmem:$0x10400] =	vst v63  }
0x26: {  	_ =	swait.ge [sflag:s7], $0x400  }
0x27: {  	[sflag:s7] =	ssyncset.done $0x0  }
0x28: {  	[sflag:s7] =	ssyncadd.s32 $0xFFFFFC00  }
0x29: {  	[tilespmem:s8], [sflag:$0x1] =	stream.indirect.gather [hbm4b:s3+s8], $0x40, s2, s8, $0xb8;
	[tilespmem:$0x10400] =	vst v63  }
0x2a: {  	s10 =	sadd.s32 $0x1, s10;
	_ =	swait.ge [sflag:s9], $0x10000  }
0x2b: {  	p0 =	sne.s32 s10, s4;
	[sflag:s9] =	ssyncset.done $0x0  }
.Ltmp1:
0x2c: {  	[sflag:s9] =	ssyncadd.s32 $0xFFFF0000;
	(pc) =	sbr.rel @p0 .LBB2_1-.Ltmp1, $4  }
0x2d: {  	[hbm4b:s11+s2] =	stream.linear.scatter [tilespmem:s8], [sflag:$0x2], $0x10000, $0x38;
	[tilespmem:$0x10400] =	vst v63  }
0x2e: {  	_ =	swait.ge [sflag:s7], $0x10000  }
0x2f: {  	[sflag:s7] =	ssyncset.done $0x0  }
0x30: {  	[sflag:s7] =	ssyncadd.s32 $0xFFFF0000  }
0x31: {  	_ =	sfence.sel $0x180000  }
0x32: {  	[bflag:$0x0] =	sbarrier.arrive $0xFFFF  }
0x33: {  	p0 =	sne.s32 s1, $0x0;
	_ =	strace $0x90000047  }
0x34: {  	s0 =	sadd.s32 @!p0 $0x100000, s0;
	[bflag:$0x2] =	sbarrier.arrive $0xFFFF  }
0x35: {  	[sflag:s0] =	ssyncadd.tile.s32 @!p0 $0x1;
	_ =	shalt  }
.Lfunc_end2:
_tile_overlayer_lowered:
.L_overlay_start_2:
0x36: {  	(tag) =	ssettag $0x2  }
0x37: {  	s0 =	rddreg [dreg:$0x0];
	s2 =	stileid.u32  }
0x38: {  	s1 =	rddreg [dreg:$0x1];
	p0 =	sne.s32 s2, $0x0  }
0x39: {  	s3 =	rddreg [dreg:$0x2];
	[bflag:$0x3] =	sbarrier.arrive $0xFFFF;
	s2 =	simm.s32 @!p0 $0x1C02  }
0x3a: {  	[timem:s3], [sflag:s2] =	dma.local @!p0 [hbm:s0], s1  }
0x3b: {  	s0 =	simm.s32 @!p0 $0x2  }
0x3c: {  	_ =	swait.ge @!p0 [sflag:s0], s1  }
0x3d: {  	s1 =	ssub.s32 @!p0 $0x0, s1;
	[sflag:s0] =	ssyncset.done @!p0 $0x0  }
0x3e: {  	[sflag:s0] =	ssyncadd.s32 @!p0 s1  }
0x3f: {  	[bflag:$0x3] =	sbarrier.arrive $0xFFFF  }
0x40: {  	_ =	shalt  }

</sc_bundles>
